<compile_context>
chip_gen: v7x
topology: tpu7x:2x2x1
jax: 0.10.2.dev20260603
libtpu: 0.0.44.dev20260713+nightly
codegen_flags: <defaults>
</compile_context>

<pallas_src>
import functools

import jax
import jax.numpy as jnp
from jax import lax
from jax.experimental import pallas as pl
from jax.experimental.pallas import tpu as pltpu
from jax.experimental.pallas import tpu_sc as plsc

B, L, D = 4096, 200, 64
LD = L * D
NC, NS = 2, 16
NW = NC * NS
ROWS_PER_W = B // NW
NBUF = 4
NG = ROWS_PER_W // NBUF
UNROLL = 8
NVEC = LD // 16


def _sc_body(x_hbm, pe_hbm, o_hbm, xbuf, obuf, pebuf, insems, outsems):
    wid = lax.axis_index("s") * NC + lax.axis_index("c")
    base = wid * ROWS_PER_W

    pltpu.sync_copy(pe_hbm, pebuf)

    def in_copy(row, b):
        return pltpu.make_async_copy(
            x_hbm.at[pl.ds(row * LD, LD)], xbuf.at[b], insems.at[b]
        )

    def out_copy(row, b):
        return pltpu.make_async_copy(
            obuf.at[b], o_hbm.at[pl.ds(row * LD, LD)], outsems.at[b]
        )

    for b in range(NBUF):
        in_copy(base + b, b).start()

    def outer(g, carry):
        row0 = base + g * NBUF
        for b in range(NBUF):
            in_copy(row0 + b, b).wait()

            @pl.when(g > 0)
            def _():
                out_copy(row0 - NBUF + b, b).wait()

            xb = xbuf.at[b]
            ob = obuf.at[b]

            def add_chunk(j, carry2):
                for u in range(UNROLL):
                    off = (j * UNROLL + u) * 16
                    ob[pl.ds(off, 16)] = xb[pl.ds(off, 16)] + pebuf[pl.ds(off, 16)]
                return carry2

            lax.fori_loop(0, NVEC // UNROLL, add_chunk, 0)

            out_copy(row0 + b, b).start()

            @pl.when(g < NG - 1)
            def _():
                in_copy(row0 + NBUF + b, b).start()
        return carry

    lax.fori_loop(0, NG, outer, 0)

    for b in range(NBUF):
        out_copy(base + (NG - 1) * NBUF + b, b).wait()


def kernel(x, pos_emb):
    Bb, Ll, Dd = x.shape
    x_flat = x.reshape(Bb * Ll * Dd)
    pe_flat = pos_emb[:Ll].reshape(Ll * Dd)

    mesh = plsc.VectorSubcoreMesh(core_axis_name="c", subcore_axis_name="s")
    k = functools.partial(
        pl.kernel,
        mesh=mesh,
        out_type=jax.ShapeDtypeStruct((Bb * Ll * Dd,), jnp.float32),
        scratch_types=[
            pltpu.MemorySpace.VMEM((NBUF, LD), jnp.float32),
            pltpu.MemorySpace.VMEM((NBUF, LD), jnp.float32),
            pltpu.MemorySpace.VMEM((LD,), jnp.float32),
            pltpu.SemaphoreType.DMA((NBUF,)),
            pltpu.SemaphoreType.DMA((NBUF,)),
        ],
    )(_sc_body)
    out = k(x_flat, pe_flat)
    return out.reshape(Bb, Ll, Dd)

# --- scband reference (transcript-rebuilt; emitter-appended) ---
"""Pipeline reference for scband-positional-encoding-7301444403206 (READ-ONLY COPY).

The authoritative reference and input builder live on the scoring server;
editing this copy changes nothing except your own understanding.
"""

import jax, jax.numpy as jnp
import numpy as np

MAX_LEN = 200
D_MODEL = 64
B, L, D = 4096, 200, 64

def setup_inputs(seed: int = 0) -> dict:
    key = jax.random.key(seed)
    kx, kw = jax.random.split(key)
    x = jax.random.normal(kx, (B, L, D), dtype=jnp.float32)
    pos_emb = jax.random.normal(kw, (MAX_LEN, D_MODEL), dtype=jnp.float32)
    return {"x": x, "pos_emb": pos_emb}

def reference(x, pos_emb):
    Bb, Ll, Dd = x.shape
    pos = jnp.arange(Ll)[None, :]
    pos = jnp.broadcast_to(pos, (Bb, Ll))
    pe = jnp.take(pos_emb, pos, axis=0)  # [B, L, D] gather
    return x + pe

if __name__ == "__main__":
    import jax
    _d = setup_inputs()
    print(jax.jit(kernel)(*tuple(_d.values())))

</pallas_src>

<mosaic_0001>
#map = affine_map<(d0, d1) -> (0)>
module attributes {stable_mosaic.version = 14 : i64} {
  func.func @_sc_body(%arg0: i32, %arg1: i32, %arg2: memref<52428800xf32, #tpu.memory_space<hbm>>, %arg3: memref<12800xf32, #tpu.memory_space<hbm>>, %arg4: memref<52428800xf32, #tpu.memory_space<hbm>>, %arg5: memref<4x12800xf32, #tpu.memory_space<vmem>>, %arg6: memref<4x12800xf32, #tpu.memory_space<vmem>>, %arg7: memref<12800xf32, #tpu.memory_space<vmem>>, %arg8: memref<4x!tpu.dma_semaphore, #tpu.memory_space<semaphore_mem>>, %arg9: memref<4x!tpu.dma_semaphore, #tpu.memory_space<semaphore_mem>>) attributes {dimension_semantics = [#tpu.dimension_semantics<core_parallel>, #tpu.dimension_semantics<subcore_parallel>], iteration_bounds = array<i64: 2, 16>, scalar_prefetch = 0 : i64, scratch_operands = 5 : i64, tpu.core_type = #tpu.core_type<sc_vector_subcore>, window_params = [{transform_indices = #map}, {transform_indices = #map}, {transform_indices = #map}]} {
    %mul3A = arith.constant 2 : i32
    %mul3A_0 = arith.muli %arg1, %mul3A : i32
    %add3A = arith.addi %mul3A_0, %arg0 : i32
    %mul3A_1 = arith.constant 128 : i32
    %mul3A_2 = arith.muli %add3A, %mul3A_1 : i32
    "tpu.region"() ({
      %run_scoped3A = tpu.sem_alloc : memref<!tpu.dma_semaphore, #tpu.memory_space<semaphore_mem>>
      tpu.enqueue_dma source(%arg3 : memref<12800xf32, #tpu.memory_space<hbm>>) target(%arg7 : memref<12800xf32, #tpu.memory_space<vmem>>) target_semaphore(%run_scoped3A : memref<!tpu.dma_semaphore, #tpu.memory_space<semaphore_mem>>)
      tpu.wait_dma2 semaphore(%run_scoped3A : memref<!tpu.dma_semaphore, #tpu.memory_space<semaphore_mem>>) src(%arg3 : memref<12800xf32, #tpu.memory_space<hbm>>) dst(%arg7 : memref<12800xf32, #tpu.memory_space<vmem>>)
      tpu.yield
    }) : () -> ()
    %add3A_3 = arith.constant 0 : i32
    %add3A_4 = arith.addi %mul3A_2, %add3A_3 : i32
    %mul3A_5 = arith.constant 12800 : i32
    %mul3A_6 = arith.muli %add3A_4, %mul3A_5 : i32
    %dma_start3A = arith.constant 0 : i32
    %dma_start3A_7 = arith.constant 0 : i32
    %dma_start3A_8 = arith.constant 0 : i32
    %dma_start3A_9 = tpu.memref_slice %arg5[%dma_start3A, %dma_start3A_8] : memref<4x12800xf32, #tpu.memory_space<vmem>> -> memref<1x12800xf32, #tpu.memory_space<vmem>>
    %dma_start3A_10 = tpu.memref_squeeze %dma_start3A_9 : memref<1x12800xf32, #tpu.memory_space<vmem>> -> memref<12800xf32, #tpu.memory_space<vmem>>
    %dma_start3A_11 = tpu.memref_slice %arg2[%mul3A_6] : memref<52428800xf32, #tpu.memory_space<hbm>> -> memref<12800xf32, #tpu.memory_space<hbm>>
    %dma_start3A_12 = tpu.memref_slice %arg8[%dma_start3A_7] : memref<4x!tpu.dma_semaphore, #tpu.memory_space<semaphore_mem>> -> memref<1x!tpu.dma_semaphore, #tpu.memory_space<semaphore_mem>>
    %dma_start3A_13 = tpu.memref_squeeze %dma_start3A_12 : memref<1x!tpu.dma_semaphore, #tpu.memory_space<semaphore_mem>> -> memref<!tpu.dma_semaphore, #tpu.memory_space<semaphore_mem>>
    %dma_start3A_14 = arith.constant 0 : i32
    %dma_start3A_15 = tpu.memref_slice %arg5[%dma_start3A, %dma_start3A_14] : memref<4x12800xf32, #tpu.memory_space<vmem>> -> memref<1x12800xf32, #tpu.memory_space<vmem>>
    %dma_start3A_16 = tpu.memref_squeeze %dma_start3A_15 : memref<1x12800xf32, #tpu.memory_space<vmem>> -> memref<12800xf32, #tpu.memory_space<vmem>>
    %dma_start3A_17 = tpu.memref_slice %arg2[%mul3A_6] : memref<52428800xf32, #tpu.memory_space<hbm>> -> memref<12800xf32, #tpu.memory_space<hbm>>
    tpu.enqueue_dma source(%dma_start3A_17 : memref<12800xf32, #tpu.memory_space<hbm>>) target(%dma_start3A_16 : memref<12800xf32, #tpu.memory_space<vmem>>) target_semaphore(%dma_start3A_13 : memref<!tpu.dma_semaphore, #tpu.memory_space<semaphore_mem>>)
    %add3A_18 = arith.constant 1 : i32
    %add3A_19 = arith.addi %mul3A_2, %add3A_18 : i32
    %mul3A_20 = arith.constant 12800 : i32
    %mul3A_21 = arith.muli %add3A_19, %mul3A_20 : i32
    %dma_start3A_22 = arith.constant 1 : i32
    %dma_start3A_23 = arith.constant 1 : i32
    %dma_start3A_24 = arith.constant 0 : i32
    %dma_start3A_25 = tpu.memref_slice %arg5[%dma_start3A_22, %dma_start3A_24] : memref<4x12800xf32, #tpu.memory_space<vmem>> -> memref<1x12800xf32, #tpu.memory_space<vmem>>
    %dma_start3A_26 = tpu.memref_squeeze %dma_start3A_25 : memref<1x12800xf32, #tpu.memory_space<vmem>> -> memref<12800xf32, #tpu.memory_space<vmem>>
    %dma_start3A_27 = tpu.memref_slice %arg2[%mul3A_21] : memref<52428800xf32, #tpu.memory_space<hbm>> -> memref<12800xf32, #tpu.memory_space<hbm>>
    %dma_start3A_28 = tpu.memref_slice %arg8[%dma_start3A_23] : memref<4x!tpu.dma_semaphore, #tpu.memory_space<semaphore_mem>> -> memref<1x!tpu.dma_semaphore, #tpu.memory_space<semaphore_mem>>
    %dma_start3A_29 = tpu.memref_squeeze %dma_start3A_28 : memref<1x!tpu.dma_semaphore, #tpu.memory_space<semaphore_mem>> -> memref<!tpu.dma_semaphore, #tpu.memory_space<semaphore_mem>>
    %dma_start3A_30 = arith.constant 0 : i32
    %dma_start3A_31 = tpu.memref_slice %arg5[%dma_start3A_22, %dma_start3A_30] : memref<4x12800xf32, #tpu.memory_space<vmem>> -> memref<1x12800xf32, #tpu.memory_space<vmem>>
    %dma_start3A_32 = tpu.memref_squeeze %dma_start3A_31 : memref<1x12800xf32, #tpu.memory_space<vmem>> -> memref<12800xf32, #tpu.memory_space<vmem>>
    %dma_start3A_33 = tpu.memref_slice %arg2[%mul3A_21] : memref<52428800xf32, #tpu.memory_space<hbm>> -> memref<12800xf32, #tpu.memory_space<hbm>>
    tpu.enqueue_dma source(%dma_start3A_33 : memref<12800xf32, #tpu.memory_space<hbm>>) target(%dma_start3A_32 : memref<12800xf32, #tpu.memory_space<vmem>>) target_semaphore(%dma_start3A_29 : memref<!tpu.dma_semaphore, #tpu.memory_space<semaphore_mem>>)
    %add3A_34 = arith.constant 2 : i32
    %add3A_35 = arith.addi %mul3A_2, %add3A_34 : i32
    %mul3A_36 = arith.constant 12800 : i32
    %mul3A_37 = arith.muli %add3A_35, %mul3A_36 : i32
    %dma_start3A_38 = arith.constant 2 : i32
    %dma_start3A_39 = arith.constant 2 : i32
    %dma_start3A_40 = arith.constant 0 : i32
    %dma_start3A_41 = tpu.memref_slice %arg5[%dma_start3A_38, %dma_start3A_40] : memref<4x12800xf32, #tpu.memory_space<vmem>> -> memref<1x12800xf32, #tpu.memory_space<vmem>>
    %dma_start3A_42 = tpu.memref_squeeze %dma_start3A_41 : memref<1x12800xf32, #tpu.memory_space<vmem>> -> memref<12800xf32, #tpu.memory_space<vmem>>
    %dma_start3A_43 = tpu.memref_slice %arg2[%mul3A_37] : memref<52428800xf32, #tpu.memory_space<hbm>> -> memref<12800xf32, #tpu.memory_space<hbm>>
    %dma_start3A_44 = tpu.memref_slice %arg8[%dma_start3A_39] : memref<4x!tpu.dma_semaphore, #tpu.memory_space<semaphore_mem>> -> memref<1x!tpu.dma_semaphore, #tpu.memory_space<semaphore_mem>>
    %dma_start3A_45 = tpu.memref_squeeze %dma_start3A_44 : memref<1x!tpu.dma_semaphore, #tpu.memory_space<semaphore_mem>> -> memref<!tpu.dma_semaphore, #tpu.memory_space<semaphore_mem>>
    %dma_start3A_46 = arith.constant 0 : i32
    %dma_start3A_47 = tpu.memref_slice %arg5[%dma_start3A_38, %dma_start3A_46] : memref<4x12800xf32, #tpu.memory_space<vmem>> -> memref<1x12800xf32, #tpu.memory_space<vmem>>
    %dma_start3A_48 = tpu.memref_squeeze %dma_start3A_47 : memref<1x12800xf32, #tpu.memory_space<vmem>> -> memref<12800xf32, #tpu.memory_space<vmem>>
    %dma_start3A_49 = tpu.memref_slice %arg2[%mul3A_37] : memref<52428800xf32, #tpu.memory_space<hbm>> -> memref<12800xf32, #tpu.memory_space<hbm>>
    tpu.enqueue_dma source(%dma_start3A_49 : memref<12800xf32, #tpu.memory_space<hbm>>) target(%dma_start3A_48 : memref<12800xf32, #tpu.memory_space<vmem>>) target_semaphore(%dma_start3A_45 : memref<!tpu.dma_semaphore, #tpu.memory_space<semaphore_mem>>)
    %add3A_50 = arith.constant 3 : i32
    %add3A_51 = arith.addi %mul3A_2, %add3A_50 : i32
    %mul3A_52 = arith.constant 12800 : i32
    %mul3A_53 = arith.muli %add3A_51, %mul3A_52 : i32
    %dma_start3A_54 = arith.constant 3 : i32
    %dma_start3A_55 = arith.constant 3 : i32
    %dma_start3A_56 = arith.constant 0 : i32
    %dma_start3A_57 = tpu.memref_slice %arg5[%dma_start3A_54, %dma_start3A_56] : memref<4x12800xf32, #tpu.memory_space<vmem>> -> memref<1x12800xf32, #tpu.memory_space<vmem>>
    %dma_start3A_58 = tpu.memref_squeeze %dma_start3A_57 : memref<1x12800xf32, #tpu.memory_space<vmem>> -> memref<12800xf32, #tpu.memory_space<vmem>>
    %dma_start3A_59 = tpu.memref_slice %arg2[%mul3A_53] : memref<52428800xf32, #tpu.memory_space<hbm>> -> memref<12800xf32, #tpu.memory_space<hbm>>
    %dma_start3A_60 = tpu.memref_slice %arg8[%dma_start3A_55] : memref<4x!tpu.dma_semaphore, #tpu.memory_space<semaphore_mem>> -> memref<1x!tpu.dma_semaphore, #tpu.memory_space<semaphore_mem>>
    %dma_start3A_61 = tpu.memref_squeeze %dma_start3A_60 : memref<1x!tpu.dma_semaphore, #tpu.memory_space<semaphore_mem>> -> memref<!tpu.dma_semaphore, #tpu.memory_space<semaphore_mem>>
    %dma_start3A_62 = arith.constant 0 : i32
    %dma_start3A_63 = tpu.memref_slice %arg5[%dma_start3A_54, %dma_start3A_62] : memref<4x12800xf32, #tpu.memory_space<vmem>> -> memref<1x12800xf32, #tpu.memory_space<vmem>>
    %dma_start3A_64 = tpu.memref_squeeze %dma_start3A_63 : memref<1x12800xf32, #tpu.memory_space<vmem>> -> memref<12800xf32, #tpu.memory_space<vmem>>
    %dma_start3A_65 = tpu.memref_slice %arg2[%mul3A_53] : memref<52428800xf32, #tpu.memory_space<hbm>> -> memref<12800xf32, #tpu.memory_space<hbm>>
    tpu.enqueue_dma source(%dma_start3A_65 : memref<12800xf32, #tpu.memory_space<hbm>>) target(%dma_start3A_64 : memref<12800xf32, #tpu.memory_space<vmem>>) target_semaphore(%dma_start3A_61 : memref<!tpu.dma_semaphore, #tpu.memory_space<semaphore_mem>>)
    %scan3A = arith.constant 0 : i32
    %scan3A_66 = arith.constant 0 : i32
    %scan3A_67 = arith.constant 32 : i32
    %scan3A_68 = arith.addi %scan3A_66, %scan3A_67 : i32
    %scan3A_69 = arith.constant 1 : i32
    scf.for %scan3A_142 = %scan3A_66 to %scan3A_68 step %scan3A_69  : i32 {
      %mul3A_143 = arith.constant 4 : i32
      %mul3A_144 = arith.muli %scan3A_142, %mul3A_143 : i32
      %add3A_145 = arith.addi %mul3A_2, %mul3A_144 : i32
      %add3A_146 = arith.constant 0 : i32
      %add3A_147 = arith.addi %add3A_145, %add3A_146 : i32
      %mul3A_148 = arith.constant 12800 : i32
      %mul3A_149 = arith.muli %add3A_147, %mul3A_148 : i32
      %dma_wait3A_150 = arith.constant 0 : i32
      %dma_wait3A_151 = arith.constant 0 : i32
      %dma_wait3A_152 = arith.constant 0 : i32
      %dma_wait3A_153 = tpu.memref_slice %arg5[%dma_wait3A_150, %dma_wait3A_152] : memref<4x12800xf32, #tpu.memory_space<vmem>> -> memref<1x12800xf32, #tpu.memory_space<vmem>>
      %dma_wait3A_154 = tpu.memref_squeeze %dma_wait3A_153 : memref<1x12800xf32, #tpu.memory_space<vmem>> -> memref<12800xf32, #tpu.memory_space<vmem>>
      %dma_wait3A_155 = tpu.memref_slice %arg2[%mul3A_149] : memref<52428800xf32, #tpu.memory_space<hbm>> -> memref<12800xf32, #tpu.memory_space<hbm>>
      %dma_wait3A_156 = tpu.memref_slice %arg8[%dma_wait3A_151] : memref<4x!tpu.dma_semaphore, #tpu.memory_space<semaphore_mem>> -> memref<1x!tpu.dma_semaphore, #tpu.memory_space<semaphore_mem>>
      %dma_wait3A_157 = tpu.memref_squeeze %dma_wait3A_156 : memref<1x!tpu.dma_semaphore, #tpu.memory_space<semaphore_mem>> -> memref<!tpu.dma_semaphore, #tpu.memory_space<semaphore_mem>>
      %dma_wait3A_158 = arith.constant 0 : i32
      %dma_wait3A_159 = tpu.memref_slice %arg5[%dma_wait3A_150, %dma_wait3A_158] : memref<4x12800xf32, #tpu.memory_space<vmem>> -> memref<1x12800xf32, #tpu.memory_space<vmem>>
      %dma_wait3A_160 = tpu.memref_squeeze %dma_wait3A_159 : memref<1x12800xf32, #tpu.memory_space<vmem>> -> memref<12800xf32, #tpu.memory_space<vmem>>
      %dma_wait3A_161 = tpu.memref_slice %arg2[%mul3A_149] : memref<52428800xf32, #tpu.memory_space<hbm>> -> memref<12800xf32, #tpu.memory_space<hbm>>
      tpu.wait_dma2 semaphore(%dma_wait3A_157 : memref<!tpu.dma_semaphore, #tpu.memory_space<semaphore_mem>>) src(%dma_wait3A_161 : memref<12800xf32, #tpu.memory_space<hbm>>) dst(%dma_wait3A_160 : memref<12800xf32, #tpu.memory_space<vmem>>)
      %gt3A = arith.constant 0 : i32
      %gt3A_162 = arith.cmpi sgt, %scan3A_142, %gt3A : i32
      %convert_element_type3A = arith.extui %gt3A_162 : i1 to i32
      %cond3A = arith.constant 0 : i32
      %cond3A_163 = arith.cmpi ne, %convert_element_type3A, %cond3A : i32
      scf.if %cond3A_163 {
        %sub3A = arith.constant 4 : i32
        %sub3A_342 = arith.subi %add3A_145, %sub3A : i32
        %add3A_343 = arith.constant 0 : i32
        %add3A_344 = arith.addi %sub3A_342, %add3A_343 : i32
        %mul3A_345 = arith.constant 12800 : i32
        %mul3A_346 = arith.muli %add3A_344, %mul3A_345 : i32
        %dma_wait3A_347 = arith.constant 0 : i32
        %dma_wait3A_348 = arith.constant 0 : i32
        %dma_wait3A_349 = arith.constant 0 : i32
        %dma_wait3A_350 = tpu.memref_slice %arg6[%dma_wait3A_347, %dma_wait3A_349] : memref<4x12800xf32, #tpu.memory_space<vmem>> -> memref<1x12800xf32, #tpu.memory_space<vmem>>
        %dma_wait3A_351 = tpu.memref_squeeze %dma_wait3A_350 : memref<1x12800xf32, #tpu.memory_space<vmem>> -> memref<12800xf32, #tpu.memory_space<vmem>>
        %dma_wait3A_352 = tpu.memref_slice %arg4[%mul3A_346] : memref<52428800xf32, #tpu.memory_space<hbm>> -> memref<12800xf32, #tpu.memory_space<hbm>>
        %dma_wait3A_353 = tpu.memref_slice %arg9[%dma_wait3A_348] : memref<4x!tpu.dma_semaphore, #tpu.memory_space<semaphore_mem>> -> memref<1x!tpu.dma_semaphore, #tpu.memory_space<semaphore_mem>>
        %dma_wait3A_354 = tpu.memref_squeeze %dma_wait3A_353 : memref<1x!tpu.dma_semaphore, #tpu.memory_space<semaphore_mem>> -> memref<!tpu.dma_semaphore, #tpu.memory_space<semaphore_mem>>
        %dma_wait3A_355 = tpu.memref_slice %arg4[%mul3A_346] : memref<52428800xf32, #tpu.memory_space<hbm>> -> memref<12800xf32, #tpu.memory_space<hbm>>
        %dma_wait3A_356 = arith.constant 0 : i32
        %dma_wait3A_357 = tpu.memref_slice %arg6[%dma_wait3A_347, %dma_wait3A_356] : memref<4x12800xf32, #tpu.memory_space<vmem>> -> memref<1x12800xf32, #tpu.memory_space<vmem>>
        %dma_wait3A_358 = tpu.memref_squeeze %dma_wait3A_357 : memref<1x12800xf32, #tpu.memory_space<vmem>> -> memref<12800xf32, #tpu.memory_space<vmem>>
        tpu.wait_dma2 semaphore(%dma_wait3A_354 : memref<!tpu.dma_semaphore, #tpu.memory_space<semaphore_mem>>) src(%dma_wait3A_358 : memref<12800xf32, #tpu.memory_space<vmem>>) dst(%dma_wait3A_355 : memref<12800xf32, #tpu.memory_space<hbm>>)
      } else {
      }
      %scan3A_164 = arith.constant 0 : i32
      %scan3A_165 = arith.constant 0 : i32
      %scan3A_166 = arith.constant 0 : i32
      %scan3A_167 = arith.constant 0 : i32
      %scan3A_168 = arith.constant 100 : i32
      %scan3A_169 = arith.addi %scan3A_167, %scan3A_168 : i32
      %scan3A_170 = arith.constant 1 : i32
      scf.for %scan3A_342 = %scan3A_167 to %scan3A_169 step %scan3A_170  : i32 {
        %mul3A_343 = arith.constant 8 : i32
        %mul3A_344 = arith.muli %scan3A_342, %mul3A_343 : i32
        %add3A_345 = arith.constant 0 : i32
        %add3A_346 = arith.addi %mul3A_344, %add3A_345 : i32
        %mul3A_347 = arith.constant 16 : i32
        %mul3A_348 = arith.muli %add3A_346, %mul3A_347 : i32
        %get3A = arith.constant 0 : i32
        %get3A_349 = tpu.memref_slice %arg5[%scan3A_165, %get3A] : memref<4x12800xf32, #tpu.memory_space<vmem>> -> memref<1x12800xf32, #tpu.memory_space<vmem>>
        %get3A_350 = tpu.memref_squeeze %get3A_349 : memref<1x12800xf32, #tpu.memory_space<vmem>> -> memref<12800xf32, #tpu.memory_space<vmem>>
        %get3A_351 = arith.index_cast %mul3A_348 : i32 to index
        %get3A_352 = tpu.vector_load %get3A_350[%get3A_351] {strides = array<i32>} : memref<12800xf32, #tpu.memory_space<vmem>>, vector<16xf32>,
        %get3A_353 = vector.shape_cast %get3A_352 : vector<16xf32> to vector<16xf32>
        %get3A_354 = arith.index_cast %mul3A_348 : i32 to index
        %get3A_355 = tpu.vector_load %arg7[%get3A_354] {strides = array<i32>} : memref<12800xf32, #tpu.memory_space<vmem>>, vector<16xf32>,
        %get3A_356 = vector.shape_cast %get3A_355 : vector<16xf32> to vector<16xf32>
        %add3A_357 = arith.addf %get3A_353, %get3A_356 : vector<16xf32>
        %swap3A = arith.constant 0 : i32
        %swap3A_358 = tpu.memref_slice %arg6[%scan3A_166, %swap3A] : memref<4x12800xf32, #tpu.memory_space<vmem>> -> memref<1x12800xf32, #tpu.memory_space<vmem>>
        %swap3A_359 = tpu.memref_squeeze %swap3A_358 : memref<1x12800xf32, #tpu.memory_space<vmem>> -> memref<12800xf32, #tpu.memory_space<vmem>>
        %swap3A_360 = arith.index_cast %mul3A_348 : i32 to index
        %swap3A_361 = tpu.vector_load %swap3A_359[%swap3A_360] {strides = array<i32>} : memref<12800xf32, #tpu.memory_space<vmem>>, vector<16xf32>,
        %swap3A_362 = vector.shape_cast %swap3A_361 : vector<16xf32> to vector<16xf32>
        %swap3A_363 = vector.shape_cast %add3A_357 : vector<16xf32> to vector<16xf32>
        tpu.vector_store %swap3A_359[%swap3A_360], %swap3A_363 {strides = array<i32>} : memref<12800xf32, #tpu.memory_space<vmem>>, vector<16xf32>,
        %mul3A_364 = arith.constant 8 : i32
        %mul3A_365 = arith.muli %scan3A_342, %mul3A_364 : i32
        %add3A_366 = arith.constant 1 : i32
        %add3A_367 = arith.addi %mul3A_365, %add3A_366 : i32
        %mul3A_368 = arith.constant 16 : i32
        %mul3A_369 = arith.muli %add3A_367, %mul3A_368 : i32
        %get3A_370 = arith.constant 0 : i32
        %get3A_371 = tpu.memref_slice %arg5[%scan3A_165, %get3A_370] : memref<4x12800xf32, #tpu.memory_space<vmem>> -> memref<1x12800xf32, #tpu.memory_space<vmem>>
        %get3A_372 = tpu.memref_squeeze %get3A_371 : memref<1x12800xf32, #tpu.memory_space<vmem>> -> memref<12800xf32, #tpu.memory_space<vmem>>
        %get3A_373 = arith.index_cast %mul3A_369 : i32 to index
        %get3A_374 = tpu.vector_load %get3A_372[%get3A_373] {strides = array<i32>} : memref<12800xf32, #tpu.memory_space<vmem>>, vector<16xf32>,
        %get3A_375 = vector.shape_cast %get3A_374 : vector<16xf32> to vector<16xf32>
        %get3A_376 = arith.index_cast %mul3A_369 : i32 to index
        %get3A_377 = tpu.vector_load %arg7[%get3A_376] {strides = array<i32>} : memref<12800xf32, #tpu.memory_space<vmem>>, vector<16xf32>,
        %get3A_378 = vector.shape_cast %get3A_377 : vector<16xf32> to vector<16xf32>
        %add3A_379 = arith.addf %get3A_375, %get3A_378 : vector<16xf32>
        %swap3A_380 = arith.constant 0 : i32
        %swap3A_381 = tpu.memref_slice %arg6[%scan3A_166, %swap3A_380] : memref<4x12800xf32, #tpu.memory_space<vmem>> -> memref<1x12800xf32, #tpu.memory_space<vmem>>
        %swap3A_382 = tpu.memref_squeeze %swap3A_381 : memref<1x12800xf32, #tpu.memory_space<vmem>> -> memref<12800xf32, #tpu.memory_space<vmem>>
        %swap3A_383 = arith.index_cast %mul3A_369 : i32 to index
        %swap3A_384 = tpu.vector_load %swap3A_382[%swap3A_383] {strides = array<i32>} : memref<12800xf32, #tpu.memory_space<vmem>>, vector<16xf32>,
        %swap3A_385 = vector.shape_cast %swap3A_384 : vector<16xf32> to vector<16xf32>
        %swap3A_386 = vector.shape_cast %add3A_379 : vector<16xf32> to vector<16xf32>
        tpu.vector_store %swap3A_382[%swap3A_383], %swap3A_386 {strides = array<i32>} : memref<12800xf32, #tpu.memory_space<vmem>>, vector<16xf32>,
        %mul3A_387 = arith.constant 8 : i32
        %mul3A_388 = arith.muli %scan3A_342, %mul3A_387 : i32
        %add3A_389 = arith.constant 2 : i32
        %add3A_390 = arith.addi %mul3A_388, %add3A_389 : i32
        %mul3A_391 = arith.constant 16 : i32
        %mul3A_392 = arith.muli %add3A_390, %mul3A_391 : i32
        %get3A_393 = arith.constant 0 : i32
        %get3A_394 = tpu.memref_slice %arg5[%scan3A_165, %get3A_393] : memref<4x12800xf32, #tpu.memory_space<vmem>> -> memref<1x12800xf32, #tpu.memory_space<vmem>>
        %get3A_395 = tpu.memref_squeeze %get3A_394 : memref<1x12800xf32, #tpu.memory_space<vmem>> -> memref<12800xf32, #tpu.memory_space<vmem>>
        %get3A_396 = arith.index_cast %mul3A_392 : i32 to index
        %get3A_397 = tpu.vector_load %get3A_395[%get3A_396] {strides = array<i32>} : memref<12800xf32, #tpu.memory_space<vmem>>, vector<16xf32>,
        %get3A_398 = vector.shape_cast %get3A_397 : vector<16xf32> to vector<16xf32>
        %get3A_399 = arith.index_cast %mul3A_392 : i32 to index
        %get3A_400 = tpu.vector_load %arg7[%get3A_399] {strides = array<i32>} : memref<12800xf32, #tpu.memory_space<vmem>>, vector<16xf32>,
        %get3A_401 = vector.shape_cast %get3A_400 : vector<16xf32> to vector<16xf32>
        %add3A_402 = arith.addf %get3A_398, %get3A_401 : vector<16xf32>
        %swap3A_403 = arith.constant 0 : i32
        %swap3A_404 = tpu.memref_slice %arg6[%scan3A_166, %swap3A_403] : memref<4x12800xf32, #tpu.memory_space<vmem>> -> memref<1x12800xf32, #tpu.memory_space<vmem>>
        %swap3A_405 = tpu.memref_squeeze %swap3A_404 : memref<1x12800xf32, #tpu.memory_space<vmem>> -> memref<12800xf32, #tpu.memory_space<vmem>>
        %swap3A_406 = arith.index_cast %mul3A_392 : i32 to index
        %swap3A_407 = tpu.vector_load %swap3A_405[%swap3A_406] {strides = array<i32>} : memref<12800xf32, #tpu.memory_space<vmem>>, vector<16xf32>,
        %swap3A_408 = vector.shape_cast %swap3A_407 : vector<16xf32> to vector<16xf32>
        %swap3A_409 = vector.shape_cast %add3A_402 : vector<16xf32> to vector<16xf32>
        tpu.vector_store %swap3A_405[%swap3A_406], %swap3A_409 {strides = array<i32>} : memref<12800xf32, #tpu.memory_space<vmem>>, vector<16xf32>,
        %mul3A_410 = arith.constant 8 : i32
        %mul3A_411 = arith.muli %scan3A_342, %mul3A_410 : i32
        %add3A_412 = arith.constant 3 : i32
        %add3A_413 = arith.addi %mul3A_411, %add3A_412 : i32
        %mul3A_414 = arith.constant 16 : i32
        %mul3A_415 = arith.muli %add3A_413, %mul3A_414 : i32
        %get3A_416 = arith.constant 0 : i32
        %get3A_417 = tpu.memref_slice %arg5[%scan3A_165, %get3A_416] : memref<4x12800xf32, #tpu.memory_space<vmem>> -> memref<1x12800xf32, #tpu.memory_space<vmem>>
        %get3A_418 = tpu.memref_squeeze %get3A_417 : memref<1x12800xf32, #tpu.memory_space<vmem>> -> memref<12800xf32, #tpu.memory_space<vmem>>
        %get3A_419 = arith.index_cast %mul3A_415 : i32 to index
        %get3A_420 = tpu.vector_load %get3A_418[%get3A_419] {strides = array<i32>} : memref<12800xf32, #tpu.memory_space<vmem>>, vector<16xf32>,
        %get3A_421 = vector.shape_cast %get3A_420 : vector<16xf32> to vector<16xf32>
        %get3A_422 = arith.index_cast %mul3A_415 : i32 to index
        %get3A_423 = tpu.vector_load %arg7[%get3A_422] {strides = array<i32>} : memref<12800xf32, #tpu.memory_space<vmem>>, vector<16xf32>,
        %get3A_424 = vector.shape_cast %get3A_423 : vector<16xf32> to vector<16xf32>
        %add3A_425 = arith.addf %get3A_421, %get3A_424 : vector<16xf32>
        %swap3A_426 = arith.constant 0 : i32
        %swap3A_427 = tpu.memref_slice %arg6[%scan3A_166, %swap3A_426] : memref<4x12800xf32, #tpu.memory_space<vmem>> -> memref<1x12800xf32, #tpu.memory_space<vmem>>
        %swap3A_428 = tpu.memref_squeeze %swap3A_427 : memref<1x12800xf32, #tpu.memory_space<vmem>> -> memref<12800xf32, #tpu.memory_space<vmem>>
        %swap3A_429 = arith.index_cast %mul3A_415 : i32 to index
        %swap3A_430 = tpu.vector_load %swap3A_428[%swap3A_429] {strides = array<i32>} : memref<12800xf32, #tpu.memory_space<vmem>>, vector<16xf32>,
        %swap3A_431 = vector.shape_cast %swap3A_430 : vector<16xf32> to vector<16xf32>
        %swap3A_432 = vector.shape_cast %add3A_425 : vector<16xf32> to vector<16xf32>
        tpu.vector_store %swap3A_428[%swap3A_429], %swap3A_432 {strides = array<i32>} : memref<12800xf32, #tpu.memory_space<vmem>>, vector<16xf32>,
        %mul3A_433 = arith.constant 8 : i32
        %mul3A_434 = arith.muli %scan3A_342, %mul3A_433 : i32
        %add3A_435 = arith.constant 4 : i32
        %add3A_436 = arith.addi %mul3A_434, %add3A_435 : i32
        %mul3A_437 = arith.constant 16 : i32
        %mul3A_438 = arith.muli %add3A_436, %mul3A_437 : i32
        %get3A_439 = arith.constant 0 : i32
        %get3A_440 = tpu.memref_slice %arg5[%scan3A_165, %get3A_439] : memref<4x12800xf32, #tpu.memory_space<vmem>> -> memref<1x12800xf32, #tpu.memory_space<vmem>>
        %get3A_441 = tpu.memref_squeeze %get3A_440 : memref<1x12800xf32, #tpu.memory_space<vmem>> -> memref<12800xf32, #tpu.memory_space<vmem>>
        %get3A_442 = arith.index_cast %mul3A_438 : i32 to index
        %get3A_443 = tpu.vector_load %get3A_441[%get3A_442] {strides = array<i32>} : memref<12800xf32, #tpu.memory_space<vmem>>, vector<16xf32>,
        %get3A_444 = vector.shape_cast %get3A_443 : vector<16xf32> to vector<16xf32>
        %get3A_445 = arith.index_cast %mul3A_438 : i32 to index
        %get3A_446 = tpu.vector_load %arg7[%get3A_445] {strides = array<i32>} : memref<12800xf32, #tpu.memory_space<vmem>>, vector<16xf32>,
        %get3A_447 = vector.shape_cast %get3A_446 : vector<16xf32> to vector<16xf32>
        %add3A_448 = arith.addf %get3A_444, %get3A_447 : vector<16xf32>
        %swap3A_449 = arith.constant 0 : i32
        %swap3A_450 = tpu.memref_slice %arg6[%scan3A_166, %swap3A_449] : memref<4x12800xf32, #tpu.memory_space<vmem>> -> memref<1x12800xf32, #tpu.memory_space<vmem>>
        %swap3A_451 = tpu.memref_squeeze %swap3A_450 : memref<1x12800xf32, #tpu.memory_space<vmem>> -> memref<12800xf32, #tpu.memory_space<vmem>>
        %swap3A_452 = arith.index_cast %mul3A_438 : i32 to index
        %swap3A_453 = tpu.vector_load %swap3A_451[%swap3A_452] {strides = array<i32>} : memref<12800xf32, #tpu.memory_space<vmem>>, vector<16xf32>,
        %swap3A_454 = vector.shape_cast %swap3A_453 : vector<16xf32> to vector<16xf32>
        %swap3A_455 = vector.shape_cast %add3A_448 : vector<16xf32> to vector<16xf32>
        tpu.vector_store %swap3A_451[%swap3A_452], %swap3A_455 {strides = array<i32>} : memref<12800xf32, #tpu.memory_space<vmem>>, vector<16xf32>,
        %mul3A_456 = arith.constant 8 : i32
        %mul3A_457 = arith.muli %scan3A_342, %mul3A_456 : i32
        %add3A_458 = arith.constant 5 : i32
        %add3A_459 = arith.addi %mul3A_457, %add3A_458 : i32
        %mul3A_460 = arith.constant 16 : i32
        %mul3A_461 = arith.muli %add3A_459, %mul3A_460 : i32
        %get3A_462 = arith.constant 0 : i32
        %get3A_463 = tpu.memref_slice %arg5[%scan3A_165, %get3A_462] : memref<4x12800xf32, #tpu.memory_space<vmem>> -> memref<1x12800xf32, #tpu.memory_space<vmem>>
        %get3A_464 = tpu.memref_squeeze %get3A_463 : memref<1x12800xf32, #tpu.memory_space<vmem>> -> memref<12800xf32, #tpu.memory_space<vmem>>
        %get3A_465 = arith.index_cast %mul3A_461 : i32 to index
        %get3A_466 = tpu.vector_load %get3A_464[%get3A_465] {strides = array<i32>} : memref<12800xf32, #tpu.memory_space<vmem>>, vector<16xf32>,
        %get3A_467 = vector.shape_cast %get3A_466 : vector<16xf32> to vector<16xf32>
        %get3A_468 = arith.index_cast %mul3A_461 : i32 to index
        %get3A_469 = tpu.vector_load %arg7[%get3A_468] {strides = array<i32>} : memref<12800xf32, #tpu.memory_space<vmem>>, vector<16xf32>,
        %get3A_470 = vector.shape_cast %get3A_469 : vector<16xf32> to vector<16xf32>
        %add3A_471 = arith.addf %get3A_467, %get3A_470 : vector<16xf32>
        %swap3A_472 = arith.constant 0 : i32
        %swap3A_473 = tpu.memref_slice %arg6[%scan3A_166, %swap3A_472] : memref<4x12800xf32, #tpu.memory_space<vmem>> -> memref<1x12800xf32, #tpu.memory_space<vmem>>
        %swap3A_474 = tpu.memref_squeeze %swap3A_473 : memref<1x12800xf32, #tpu.memory_space<vmem>> -> memref<12800xf32, #tpu.memory_space<vmem>>
        %swap3A_475 = arith.index_cast %mul3A_461 : i32 to index
        %swap3A_476 = tpu.vector_load %swap3A_474[%swap3A_475] {strides = array<i32>} : memref<12800xf32, #tpu.memory_space<vmem>>, vector<16xf32>,
        %swap3A_477 = vector.shape_cast %swap3A_476 : vector<16xf32> to vector<16xf32>
        %swap3A_478 = vector.shape_cast %add3A_471 : vector<16xf32> to vector<16xf32>
        tpu.vector_store %swap3A_474[%swap3A_475], %swap3A_478 {strides = array<i32>} : memref<12800xf32, #tpu.memory_space<vmem>>, vector<16xf32>,
        %mul3A_479 = arith.constant 8 : i32
        %mul3A_480 = arith.muli %scan3A_342, %mul3A_479 : i32
        %add3A_481 = arith.constant 6 : i32
        %add3A_482 = arith.addi %mul3A_480, %add3A_481 : i32
        %mul3A_483 = arith.constant 16 : i32
        %mul3A_484 = arith.muli %add3A_482, %mul3A_483 : i32
        %get3A_485 = arith.constant 0 : i32
        %get3A_486 = tpu.memref_slice %arg5[%scan3A_165, %get3A_485] : memref<4x12800xf32, #tpu.memory_space<vmem>> -> memref<1x12800xf32, #tpu.memory_space<vmem>>
        %get3A_487 = tpu.memref_squeeze %get3A_486 : memref<1x12800xf32, #tpu.memory_space<vmem>> -> memref<12800xf32, #tpu.memory_space<vmem>>
        %get3A_488 = arith.index_cast %mul3A_484 : i32 to index
        %get3A_489 = tpu.vector_load %get3A_487[%get3A_488] {strides = array<i32>} : memref<12800xf32, #tpu.memory_space<vmem>>, vector<16xf32>,
        %get3A_490 = vector.shape_cast %get3A_489 : vector<16xf32> to vector<16xf32>
        %get3A_491 = arith.index_cast %mul3A_484 : i32 to index
        %get3A_492 = tpu.vector_load %arg7[%get3A_491] {strides = array<i32>} : memref<12800xf32, #tpu.memory_space<vmem>>, vector<16xf32>,
        %get3A_493 = vector.shape_cast %get3A_492 : vector<16xf32> to vector<16xf32>
        %add3A_494 = arith.addf %get3A_490, %get3A_493 : vector<16xf32>
        %swap3A_495 = arith.constant 0 : i32
        %swap3A_496 = tpu.memref_slice %arg6[%scan3A_166, %swap3A_495] : memref<4x12800xf32, #tpu.memory_space<vmem>> -> memref<1x12800xf32, #tpu.memory_space<vmem>>
        %swap3A_497 = tpu.memref_squeeze %swap3A_496 : memref<1x12800xf32, #tpu.memory_space<vmem>> -> memref<12800xf32, #tpu.memory_space<vmem>>
        %swap3A_498 = arith.index_cast %mul3A_484 : i32 to index
        %swap3A_499 = tpu.vector_load %swap3A_497[%swap3A_498] {strides = array<i32>} : memref<12800xf32, #tpu.memory_space<vmem>>, vector<16xf32>,
        %swap3A_500 = vector.shape_cast %swap3A_499 : vector<16xf32> to vector<16xf32>
        %swap3A_501 = vector.shape_cast %add3A_494 : vector<16xf32> to vector<16xf32>
        tpu.vector_store %swap3A_497[%swap3A_498], %swap3A_501 {strides = array<i32>} : memref<12800xf32, #tpu.memory_space<vmem>>, vector<16xf32>,
        %mul3A_502 = arith.constant 8 : i32
        %mul3A_503 = arith.muli %scan3A_342, %mul3A_502 : i32
        %add3A_504 = arith.constant 7 : i32
        %add3A_505 = arith.addi %mul3A_503, %add3A_504 : i32
        %mul3A_506 = arith.constant 16 : i32
        %mul3A_507 = arith.muli %add3A_505, %mul3A_506 : i32
        %get3A_508 = arith.constant 0 : i32
        %get3A_509 = tpu.memref_slice %arg5[%scan3A_165, %get3A_508] : memref<4x12800xf32, #tpu.memory_space<vmem>> -> memref<1x12800xf32, #tpu.memory_space<vmem>>
        %get3A_510 = tpu.memref_squeeze %get3A_509 : memref<1x12800xf32, #tpu.memory_space<vmem>> -> memref<12800xf32, #tpu.memory_space<vmem>>
        %get3A_511 = arith.index_cast %mul3A_507 : i32 to index
        %get3A_512 = tpu.vector_load %get3A_510[%get3A_511] {strides = array<i32>} : memref<12800xf32, #tpu.memory_space<vmem>>, vector<16xf32>,
        %get3A_513 = vector.shape_cast %get3A_512 : vector<16xf32> to vector<16xf32>
        %get3A_514 = arith.index_cast %mul3A_507 : i32 to index
        %get3A_515 = tpu.vector_load %arg7[%get3A_514] {strides = array<i32>} : memref<12800xf32, #tpu.memory_space<vmem>>, vector<16xf32>,
        %get3A_516 = vector.shape_cast %get3A_515 : vector<16xf32> to vector<16xf32>
        %add3A_517 = arith.addf %get3A_513, %get3A_516 : vector<16xf32>
        %swap3A_518 = arith.constant 0 : i32
        %swap3A_519 = tpu.memref_slice %arg6[%scan3A_166, %swap3A_518] : memref<4x12800xf32, #tpu.memory_space<vmem>> -> memref<1x12800xf32, #tpu.memory_space<vmem>>
        %swap3A_520 = tpu.memref_squeeze %swap3A_519 : memref<1x12800xf32, #tpu.memory_space<vmem>> -> memref<12800xf32, #tpu.memory_space<vmem>>
        %swap3A_521 = arith.index_cast %mul3A_507 : i32 to index
        %swap3A_522 = tpu.vector_load %swap3A_520[%swap3A_521] {strides = array<i32>} : memref<12800xf32, #tpu.memory_space<vmem>>, vector<16xf32>,
        %swap3A_523 = vector.shape_cast %swap3A_522 : vector<16xf32> to vector<16xf32>
        %swap3A_524 = vector.shape_cast %add3A_517 : vector<16xf32> to vector<16xf32>
        tpu.vector_store %swap3A_520[%swap3A_521], %swap3A_524 {strides = array<i32>} : memref<12800xf32, #tpu.memory_space<vmem>>, vector<16xf32>,
      }
      %scan3A_171 = arith.constant 100 : i32
      %add3A_172 = arith.constant 0 : i32
      %add3A_173 = arith.addi %add3A_145, %add3A_172 : i32
      %mul3A_174 = arith.constant 12800 : i32
      %mul3A_175 = arith.muli %add3A_173, %mul3A_174 : i32
      %dma_start3A_176 = arith.constant 0 : i32
      %dma_start3A_177 = arith.constant 0 : i32
      %dma_start3A_178 = arith.constant 0 : i32
      %dma_start3A_179 = tpu.memref_slice %arg6[%dma_start3A_176, %dma_start3A_178] : memref<4x12800xf32, #tpu.memory_space<vmem>> -> memref<1x12800xf32, #tpu.memory_space<vmem>>
      %dma_start3A_180 = tpu.memref_squeeze %dma_start3A_179 : memref<1x12800xf32, #tpu.memory_space<vmem>> -> memref<12800xf32, #tpu.memory_space<vmem>>
      %dma_start3A_181 = tpu.memref_slice %arg4[%mul3A_175] : memref<52428800xf32, #tpu.memory_space<hbm>> -> memref<12800xf32, #tpu.memory_space<hbm>>
      %dma_start3A_182 = tpu.memref_slice %arg9[%dma_start3A_177] : memref<4x!tpu.dma_semaphore, #tpu.memory_space<semaphore_mem>> -> memref<1x!tpu.dma_semaphore, #tpu.memory_space<semaphore_mem>>
      %dma_start3A_183 = tpu.memref_squeeze %dma_start3A_182 : memref<1x!tpu.dma_semaphore, #tpu.memory_space<semaphore_mem>> -> memref<!tpu.dma_semaphore, #tpu.memory_space<semaphore_mem>>
      %dma_start3A_184 = tpu.memref_slice %arg4[%mul3A_175] : memref<52428800xf32, #tpu.memory_space<hbm>> -> memref<12800xf32, #tpu.memory_space<hbm>>
      %dma_start3A_185 = arith.constant 0 : i32
      %dma_start3A_186 = tpu.memref_slice %arg6[%dma_start3A_176, %dma_start3A_185] : memref<4x12800xf32, #tpu.memory_space<vmem>> -> memref<1x12800xf32, #tpu.memory_space<vmem>>
      %dma_start3A_187 = tpu.memref_squeeze %dma_start3A_186 : memref<1x12800xf32, #tpu.memory_space<vmem>> -> memref<12800xf32, #tpu.memory_space<vmem>>
      tpu.enqueue_dma source(%dma_start3A_187 : memref<12800xf32, #tpu.memory_space<vmem>>) target(%dma_start3A_184 : memref<12800xf32, #tpu.memory_space<hbm>>) target_semaphore(%dma_start3A_183 : memref<!tpu.dma_semaphore, #tpu.memory_space<semaphore_mem>>)
      %lt3A = arith.constant 31 : i32
      %lt3A_188 = arith.cmpi slt, %scan3A_142, %lt3A : i32
      %convert_element_type3A_189 = arith.extui %lt3A_188 : i1 to i32
      %cond3A_190 = arith.constant 0 : i32
      %cond3A_191 = arith.cmpi ne, %convert_element_type3A_189, %cond3A_190 : i32
      scf.if %cond3A_191 {
        %add3A_342 = arith.constant 4 : i32
        %add3A_343 = arith.addi %add3A_145, %add3A_342 : i32
        %add3A_344 = arith.constant 0 : i32
        %add3A_345 = arith.addi %add3A_343, %add3A_344 : i32
        %mul3A_346 = arith.constant 12800 : i32
        %mul3A_347 = arith.muli %add3A_345, %mul3A_346 : i32
        %dma_start3A_348 = arith.constant 0 : i32
        %dma_start3A_349 = arith.constant 0 : i32
        %dma_start3A_350 = arith.constant 0 : i32
        %dma_start3A_351 = tpu.memref_slice %arg5[%dma_start3A_348, %dma_start3A_350] : memref<4x12800xf32, #tpu.memory_space<vmem>> -> memref<1x12800xf32, #tpu.memory_space<vmem>>
        %dma_start3A_352 = tpu.memref_squeeze %dma_start3A_351 : memref<1x12800xf32, #tpu.memory_space<vmem>> -> memref<12800xf32, #tpu.memory_space<vmem>>
        %dma_start3A_353 = tpu.memref_slice %arg2[%mul3A_347] : memref<52428800xf32, #tpu.memory_space<hbm>> -> memref<12800xf32, #tpu.memory_space<hbm>>
        %dma_start3A_354 = tpu.memref_slice %arg8[%dma_start3A_349] : memref<4x!tpu.dma_semaphore, #tpu.memory_space<semaphore_mem>> -> memref<1x!tpu.dma_semaphore, #tpu.memory_space<semaphore_mem>>
        %dma_start3A_355 = tpu.memref_squeeze %dma_start3A_354 : memref<1x!tpu.dma_semaphore, #tpu.memory_space<semaphore_mem>> -> memref<!tpu.dma_semaphore, #tpu.memory_space<semaphore_mem>>
        %dma_start3A_356 = arith.constant 0 : i32
        %dma_start3A_357 = tpu.memref_slice %arg5[%dma_start3A_348, %dma_start3A_356] : memref<4x12800xf32, #tpu.memory_space<vmem>> -> memref<1x12800xf32, #tpu.memory_space<vmem>>
        %dma_start3A_358 = tpu.memref_squeeze %dma_start3A_357 : memref<1x12800xf32, #tpu.memory_space<vmem>> -> memref<12800xf32, #tpu.memory_space<vmem>>
        %dma_start3A_359 = tpu.memref_slice %arg2[%mul3A_347] : memref<52428800xf32, #tpu.memory_space<hbm>> -> memref<12800xf32, #tpu.memory_space<hbm>>
        tpu.enqueue_dma source(%dma_start3A_359 : memref<12800xf32, #tpu.memory_space<hbm>>) target(%dma_start3A_358 : memref<12800xf32, #tpu.memory_space<vmem>>) target_semaphore(%dma_start3A_355 : memref<!tpu.dma_semaphore, #tpu.memory_space<semaphore_mem>>)
      } else {
      }
      %add3A_192 = arith.constant 1 : i32
      %add3A_193 = arith.addi %add3A_145, %add3A_192 : i32
      %mul3A_194 = arith.constant 12800 : i32
      %mul3A_195 = arith.muli %add3A_193, %mul3A_194 : i32
      %dma_wait3A_196 = arith.constant 1 : i32
      %dma_wait3A_197 = arith.constant 1 : i32
      %dma_wait3A_198 = arith.constant 0 : i32
      %dma_wait3A_199 = tpu.memref_slice %arg5[%dma_wait3A_196, %dma_wait3A_198] : memref<4x12800xf32, #tpu.memory_space<vmem>> -> memref<1x12800xf32, #tpu.memory_space<vmem>>
      %dma_wait3A_200 = tpu.memref_squeeze %dma_wait3A_199 : memref<1x12800xf32, #tpu.memory_space<vmem>> -> memref<12800xf32, #tpu.memory_space<vmem>>
      %dma_wait3A_201 = tpu.memref_slice %arg2[%mul3A_195] : memref<52428800xf32, #tpu.memory_space<hbm>> -> memref<12800xf32, #tpu.memory_space<hbm>>
      %dma_wait3A_202 = tpu.memref_slice %arg8[%dma_wait3A_197] : memref<4x!tpu.dma_semaphore, #tpu.memory_space<semaphore_mem>> -> memref<1x!tpu.dma_semaphore, #tpu.memory_space<semaphore_mem>>
      %dma_wait3A_203 = tpu.memref_squeeze %dma_wait3A_202 : memref<1x!tpu.dma_semaphore, #tpu.memory_space<semaphore_mem>> -> memref<!tpu.dma_semaphore, #tpu.memory_space<semaphore_mem>>
      %dma_wait3A_204 = arith.constant 0 : i32
      %dma_wait3A_205 = tpu.memref_slice %arg5[%dma_wait3A_196, %dma_wait3A_204] : memref<4x12800xf32, #tpu.memory_space<vmem>> -> memref<1x12800xf32, #tpu.memory_space<vmem>>
      %dma_wait3A_206 = tpu.memref_squeeze %dma_wait3A_205 : memref<1x12800xf32, #tpu.memory_space<vmem>> -> memref<12800xf32, #tpu.memory_space<vmem>>
      %dma_wait3A_207 = tpu.memref_slice %arg2[%mul3A_195] : memref<52428800xf32, #tpu.memory_space<hbm>> -> memref<12800xf32, #tpu.memory_space<hbm>>
      tpu.wait_dma2 semaphore(%dma_wait3A_203 : memref<!tpu.dma_semaphore, #tpu.memory_space<semaphore_mem>>) src(%dma_wait3A_207 : memref<12800xf32, #tpu.memory_space<hbm>>) dst(%dma_wait3A_206 : memref<12800xf32, #tpu.memory_space<vmem>>)
      %gt3A_208 = arith.constant 0 : i32
      %gt3A_209 = arith.cmpi sgt, %scan3A_142, %gt3A_208 : i32
      %convert_element_type3A_210 = arith.extui %gt3A_209 : i1 to i32
      %cond3A_211 = arith.constant 0 : i32
      %cond3A_212 = arith.cmpi ne, %convert_element_type3A_210, %cond3A_211 : i32
      scf.if %cond3A_212 {
        %sub3A = arith.constant 4 : i32
        %sub3A_342 = arith.subi %add3A_145, %sub3A : i32
        %add3A_343 = arith.constant 1 : i32
        %add3A_344 = arith.addi %sub3A_342, %add3A_343 : i32
        %mul3A_345 = arith.constant 12800 : i32
        %mul3A_346 = arith.muli %add3A_344, %mul3A_345 : i32
        %dma_wait3A_347 = arith.constant 1 : i32
        %dma_wait3A_348 = arith.constant 1 : i32
        %dma_wait3A_349 = arith.constant 0 : i32
        %dma_wait3A_350 = tpu.memref_slice %arg6[%dma_wait3A_347, %dma_wait3A_349] : memref<4x12800xf32, #tpu.memory_space<vmem>> -> memref<1x12800xf32, #tpu.memory_space<vmem>>
        %dma_wait3A_351 = tpu.memref_squeeze %dma_wait3A_350 : memref<1x12800xf32, #tpu.memory_space<vmem>> -> memref<12800xf32, #tpu.memory_space<vmem>>
        %dma_wait3A_352 = tpu.memref_slice %arg4[%mul3A_346] : memref<52428800xf32, #tpu.memory_space<hbm>> -> memref<12800xf32, #tpu.memory_space<hbm>>
        %dma_wait3A_353 = tpu.memref_slice %arg9[%dma_wait3A_348] : memref<4x!tpu.dma_semaphore, #tpu.memory_space<semaphore_mem>> -> memref<1x!tpu.dma_semaphore, #tpu.memory_space<semaphore_mem>>
        %dma_wait3A_354 = tpu.memref_squeeze %dma_wait3A_353 : memref<1x!tpu.dma_semaphore, #tpu.memory_space<semaphore_mem>> -> memref<!tpu.dma_semaphore, #tpu.memory_space<semaphore_mem>>
        %dma_wait3A_355 = tpu.memref_slice %arg4[%mul3A_346] : memref<52428800xf32, #tpu.memory_space<hbm>> -> memref<12800xf32, #tpu.memory_space<hbm>>
        %dma_wait3A_356 = arith.constant 0 : i32
        %dma_wait3A_357 = tpu.memref_slice %arg6[%dma_wait3A_347, %dma_wait3A_356] : memref<4x12800xf32, #tpu.memory_space<vmem>> -> memref<1x12800xf32, #tpu.memory_space<vmem>>
        %dma_wait3A_358 = tpu.memref_squeeze %dma_wait3A_357 : memref<1x12800xf32, #tpu.memory_space<vmem>> -> memref<12800xf32, #tpu.memory_space<vmem>>
        tpu.wait_dma2 semaphore(%dma_wait3A_354 : memref<!tpu.dma_semaphore, #tpu.memory_space<semaphore_mem>>) src(%dma_wait3A_358 : memref<12800xf32, #tpu.memory_space<vmem>>) dst(%dma_wait3A_355 : memref<12800xf32, #tpu.memory_space<hbm>>)
      } else {
      }
      %scan3A_213 = arith.constant 0 : i32
      %scan3A_214 = arith.constant 1 : i32
      %scan3A_215 = arith.constant 1 : i32
      %scan3A_216 = arith.constant 0 : i32
      %scan3A_217 = arith.constant 100 : i32
      %scan3A_218 = arith.addi %scan3A_216, %scan3A_217 : i32
      %scan3A_219 = arith.constant 1 : i32
      scf.for %scan3A_342 = %scan3A_216 to %scan3A_218 step %scan3A_219  : i32 {
        %mul3A_343 = arith.constant 8 : i32
        %mul3A_344 = arith.muli %scan3A_342, %mul3A_343 : i32
        %add3A_345 = arith.constant 0 : i32
        %add3A_346 = arith.addi %mul3A_344, %add3A_345 : i32
        %mul3A_347 = arith.constant 16 : i32
        %mul3A_348 = arith.muli %add3A_346, %mul3A_347 : i32
        %get3A = arith.constant 0 : i32
        %get3A_349 = tpu.memref_slice %arg5[%scan3A_214, %get3A] : memref<4x12800xf32, #tpu.memory_space<vmem>> -> memref<1x12800xf32, #tpu.memory_space<vmem>>
        %get3A_350 = tpu.memref_squeeze %get3A_349 : memref<1x12800xf32, #tpu.memory_space<vmem>> -> memref<12800xf32, #tpu.memory_space<vmem>>
        %get3A_351 = arith.index_cast %mul3A_348 : i32 to index
        %get3A_352 = tpu.vector_load %get3A_350[%get3A_351] {strides = array<i32>} : memref<12800xf32, #tpu.memory_space<vmem>>, vector<16xf32>,
        %get3A_353 = vector.shape_cast %get3A_352 : vector<16xf32> to vector<16xf32>
        %get3A_354 = arith.index_cast %mul3A_348 : i32 to index
        %get3A_355 = tpu.vector_load %arg7[%get3A_354] {strides = array<i32>} : memref<12800xf32, #tpu.memory_space<vmem>>, vector<16xf32>,
        %get3A_356 = vector.shape_cast %get3A_355 : vector<16xf32> to vector<16xf32>
        %add3A_357 = arith.addf %get3A_353, %get3A_356 : vector<16xf32>
        %swap3A = arith.constant 0 : i32
        %swap3A_358 = tpu.memref_slice %arg6[%scan3A_215, %swap3A] : memref<4x12800xf32, #tpu.memory_space<vmem>> -> memref<1x12800xf32, #tpu.memory_space<vmem>>
        %swap3A_359 = tpu.memref_squeeze %swap3A_358 : memref<1x12800xf32, #tpu.memory_space<vmem>> -> memref<12800xf32, #tpu.memory_space<vmem>>
        %swap3A_360 = arith.index_cast %mul3A_348 : i32 to index
        %swap3A_361 = tpu.vector_load %swap3A_359[%swap3A_360] {strides = array<i32>} : memref<12800xf32, #tpu.memory_space<vmem>>, vector<16xf32>,
        %swap3A_362 = vector.shape_cast %swap3A_361 : vector<16xf32> to vector<16xf32>
        %swap3A_363 = vector.shape_cast %add3A_357 : vector<16xf32> to vector<16xf32>
        tpu.vector_store %swap3A_359[%swap3A_360], %swap3A_363 {strides = array<i32>} : memref<12800xf32, #tpu.memory_space<vmem>>, vector<16xf32>,
        %mul3A_364 = arith.constant 8 : i32
        %mul3A_365 = arith.muli %scan3A_342, %mul3A_364 : i32
        %add3A_366 = arith.constant 1 : i32
        %add3A_367 = arith.addi %mul3A_365, %add3A_366 : i32
        %mul3A_368 = arith.constant 16 : i32
        %mul3A_369 = arith.muli %add3A_367, %mul3A_368 : i32
        %get3A_370 = arith.constant 0 : i32
        %get3A_371 = tpu.memref_slice %arg5[%scan3A_214, %get3A_370] : memref<4x12800xf32, #tpu.memory_space<vmem>> -> memref<1x12800xf32, #tpu.memory_space<vmem>>
        %get3A_372 = tpu.memref_squeeze %get3A_371 : memref<1x12800xf32, #tpu.memory_space<vmem>> -> memref<12800xf32, #tpu.memory_space<vmem>>
        %get3A_373 = arith.index_cast %mul3A_369 : i32 to index
        %get3A_374 = tpu.vector_load %get3A_372[%get3A_373] {strides = array<i32>} : memref<12800xf32, #tpu.memory_space<vmem>>, vector<16xf32>,
        %get3A_375 = vector.shape_cast %get3A_374 : vector<16xf32> to vector<16xf32>
        %get3A_376 = arith.index_cast %mul3A_369 : i32 to index
        %get3A_377 = tpu.vector_load %arg7[%get3A_376] {strides = array<i32>} : memref<12800xf32, #tpu.memory_space<vmem>>, vector<16xf32>,
        %get3A_378 = vector.shape_cast %get3A_377 : vector<16xf32> to vector<16xf32>
        %add3A_379 = arith.addf %get3A_375, %get3A_378 : vector<16xf32>
        %swap3A_380 = arith.constant 0 : i32
        %swap3A_381 = tpu.memref_slice %arg6[%scan3A_215, %swap3A_380] : memref<4x12800xf32, #tpu.memory_space<vmem>> -> memref<1x12800xf32, #tpu.memory_space<vmem>>
        %swap3A_382 = tpu.memref_squeeze %swap3A_381 : memref<1x12800xf32, #tpu.memory_space<vmem>> -> memref<12800xf32, #tpu.memory_space<vmem>>
        %swap3A_383 = arith.index_cast %mul3A_369 : i32 to index
        %swap3A_384 = tpu.vector_load %swap3A_382[%swap3A_383] {strides = array<i32>} : memref<12800xf32, #tpu.memory_space<vmem>>, vector<16xf32>,
        %swap3A_385 = vector.shape_cast %swap3A_384 : vector<16xf32> to vector<16xf32>
        %swap3A_386 = vector.shape_cast %add3A_379 : vector<16xf32> to vector<16xf32>
        tpu.vector_store %swap3A_382[%swap3A_383], %swap3A_386 {strides = array<i32>} : memref<12800xf32, #tpu.memory_space<vmem>>, vector<16xf32>,
        %mul3A_387 = arith.constant 8 : i32
        %mul3A_388 = arith.muli %scan3A_342, %mul3A_387 : i32
        %add3A_389 = arith.constant 2 : i32
        %add3A_390 = arith.addi %mul3A_388, %add3A_389 : i32
        %mul3A_391 = arith.constant 16 : i32
        %mul3A_392 = arith.muli %add3A_390, %mul3A_391 : i32
        %get3A_393 = arith.constant 0 : i32
        %get3A_394 = tpu.memref_slice %arg5[%scan3A_214, %get3A_393] : memref<4x12800xf32, #tpu.memory_space<vmem>> -> memref<1x12800xf32, #tpu.memory_space<vmem>>
        %get3A_395 = tpu.memref_squeeze %get3A_394 : memref<1x12800xf32, #tpu.memory_space<vmem>> -> memref<12800xf32, #tpu.memory_space<vmem>>
        %get3A_396 = arith.index_cast %mul3A_392 : i32 to index
        %get3A_397 = tpu.vector_load %get3A_395[%get3A_396] {strides = array<i32>} : memref<12800xf32, #tpu.memory_space<vmem>>, vector<16xf32>,
        %get3A_398 = vector.shape_cast %get3A_397 : vector<16xf32> to vector<16xf32>
        %get3A_399 = arith.index_cast %mul3A_392 : i32 to index
        %get3A_400 = tpu.vector_load %arg7[%get3A_399] {strides = array<i32>} : memref<12800xf32, #tpu.memory_space<vmem>>, vector<16xf32>,
        %get3A_401 = vector.shape_cast %get3A_400 : vector<16xf32> to vector<16xf32>
        %add3A_402 = arith.addf %get3A_398, %get3A_401 : vector<16xf32>
        %swap3A_403 = arith.constant 0 : i32
        %swap3A_404 = tpu.memref_slice %arg6[%scan3A_215, %swap3A_403] : memref<4x12800xf32, #tpu.memory_space<vmem>> -> memref<1x12800xf32, #tpu.memory_space<vmem>>
        %swap3A_405 = tpu.memref_squeeze %swap3A_404 : memref<1x12800xf32, #tpu.memory_space<vmem>> -> memref<12800xf32, #tpu.memory_space<vmem>>
        %swap3A_406 = arith.index_cast %mul3A_392 : i32 to index
        %swap3A_407 = tpu.vector_load %swap3A_405[%swap3A_406] {strides = array<i32>} : memref<12800xf32, #tpu.memory_space<vmem>>, vector<16xf32>,
        %swap3A_408 = vector.shape_cast %swap3A_407 : vector<16xf32> to vector<16xf32>
        %swap3A_409 = vector.shape_cast %add3A_402 : vector<16xf32> to vector<16xf32>
        tpu.vector_store %swap3A_405[%swap3A_406], %swap3A_409 {strides = array<i32>} : memref<12800xf32, #tpu.memory_space<vmem>>, vector<16xf32>,
        %mul3A_410 = arith.constant 8 : i32
        %mul3A_411 = arith.muli %scan3A_342, %mul3A_410 : i32
        %add3A_412 = arith.constant 3 : i32
        %add3A_413 = arith.addi %mul3A_411, %add3A_412 : i32
        %mul3A_414 = arith.constant 16 : i32
        %mul3A_415 = arith.muli %add3A_413, %mul3A_414 : i32
        %get3A_416 = arith.constant 0 : i32
        %get3A_417 = tpu.memref_slice %arg5[%scan3A_214, %get3A_416] : memref<4x12800xf32, #tpu.memory_space<vmem>> -> memref<1x12800xf32, #tpu.memory_space<vmem>>
        %get3A_418 = tpu.memref_squeeze %get3A_417 : memref<1x12800xf32, #tpu.memory_space<vmem>> -> memref<12800xf32, #tpu.memory_space<vmem>>
        %get3A_419 = arith.index_cast %mul3A_415 : i32 to index
        %get3A_420 = tpu.vector_load %get3A_418[%get3A_419] {strides = array<i32>} : memref<12800xf32, #tpu.memory_space<vmem>>, vector<16xf32>,
        %get3A_421 = vector.shape_cast %get3A_420 : vector<16xf32> to vector<16xf32>
        %get3A_422 = arith.index_cast %mul3A_415 : i32 to index
        %get3A_423 = tpu.vector_load %arg7[%get3A_422] {strides = array<i32>} : memref<12800xf32, #tpu.memory_space<vmem>>, vector<16xf32>,
        %get3A_424 = vector.shape_cast %get3A_423 : vector<16xf32> to vector<16xf32>
        %add3A_425 = arith.addf %get3A_421, %get3A_424 : vector<16xf32>
        %swap3A_426 = arith.constant 0 : i32
        %swap3A_427 = tpu.memref_slice %arg6[%scan3A_215, %swap3A_426] : memref<4x12800xf32, #tpu.memory_space<vmem>> -> memref<1x12800xf32, #tpu.memory_space<vmem>>
        %swap3A_428 = tpu.memref_squeeze %swap3A_427 : memref<1x12800xf32, #tpu.memory_space<vmem>> -> memref<12800xf32, #tpu.memory_space<vmem>>
        %swap3A_429 = arith.index_cast %mul3A_415 : i32 to index
        %swap3A_430 = tpu.vector_load %swap3A_428[%swap3A_429] {strides = array<i32>} : memref<12800xf32, #tpu.memory_space<vmem>>, vector<16xf32>,
        %swap3A_431 = vector.shape_cast %swap3A_430 : vector<16xf32> to vector<16xf32>
        %swap3A_432 = vector.shape_cast %add3A_425 : vector<16xf32> to vector<16xf32>
        tpu.vector_store %swap3A_428[%swap3A_429], %swap3A_432 {strides = array<i32>} : memref<12800xf32, #tpu.memory_space<vmem>>, vector<16xf32>,
        %mul3A_433 = arith.constant 8 : i32
        %mul3A_434 = arith.muli %scan3A_342, %mul3A_433 : i32
        %add3A_435 = arith.constant 4 : i32
        %add3A_436 = arith.addi %mul3A_434, %add3A_435 : i32
        %mul3A_437 = arith.constant 16 : i32
        %mul3A_438 = arith.muli %add3A_436, %mul3A_437 : i32
        %get3A_439 = arith.constant 0 : i32
        %get3A_440 = tpu.memref_slice %arg5[%scan3A_214, %get3A_439] : memref<4x12800xf32, #tpu.memory_space<vmem>> -> memref<1x12800xf32, #tpu.memory_space<vmem>>
        %get3A_441 = tpu.memref_squeeze %get3A_440 : memref<1x12800xf32, #tpu.memory_space<vmem>> -> memref<12800xf32, #tpu.memory_space<vmem>>
        %get3A_442 = arith.index_cast %mul3A_438 : i32 to index
        %get3A_443 = tpu.vector_load %get3A_441[%get3A_442] {strides = array<i32>} : memref<12800xf32, #tpu.memory_space<vmem>>, vector<16xf32>,
        %get3A_444 = vector.shape_cast %get3A_443 : vector<16xf32> to vector<16xf32>
        %get3A_445 = arith.index_cast %mul3A_438 : i32 to index
        %get3A_446 = tpu.vector_load %arg7[%get3A_445] {strides = array<i32>} : memref<12800xf32, #tpu.memory_space<vmem>>, vector<16xf32>,
        %get3A_447 = vector.shape_cast %get3A_446 : vector<16xf32> to vector<16xf32>
        %add3A_448 = arith.addf %get3A_444, %get3A_447 : vector<16xf32>
        %swap3A_449 = arith.constant 0 : i32
        %swap3A_450 = tpu.memref_slice %arg6[%scan3A_215, %swap3A_449] : memref<4x12800xf32, #tpu.memory_space<vmem>> -> memref<1x12800xf32, #tpu.memory_space<vmem>>
        %swap3A_451 = tpu.memref_squeeze %swap3A_450 : memref<1x12800xf32, #tpu.memory_space<vmem>> -> memref<12800xf32, #tpu.memory_space<vmem>>
        %swap3A_452 = arith.index_cast %mul3A_438 : i32 to index
        %swap3A_453 = tpu.vector_load %swap3A_451[%swap3A_452] {strides = array<i32>} : memref<12800xf32, #tpu.memory_space<vmem>>, vector<16xf32>,
        %swap3A_454 = vector.shape_cast %swap3A_453 : vector<16xf32> to vector<16xf32>
        %swap3A_455 = vector.shape_cast %add3A_448 : vector<16xf32> to vector<16xf32>
        tpu.vector_store %swap3A_451[%swap3A_452], %swap3A_455 {strides = array<i32>} : memref<12800xf32, #tpu.memory_space<vmem>>, vector<16xf32>,
        %mul3A_456 = arith.constant 8 : i32
        %mul3A_457 = arith.muli %scan3A_342, %mul3A_456 : i32
        %add3A_458 = arith.constant 5 : i32
        %add3A_459 = arith.addi %mul3A_457, %add3A_458 : i32
        %mul3A_460 = arith.constant 16 : i32
        %mul3A_461 = arith.muli %add3A_459, %mul3A_460 : i32
        %get3A_462 = arith.constant 0 : i32
        %get3A_463 = tpu.memref_slice %arg5[%scan3A_214, %get3A_462] : memref<4x12800xf32, #tpu.memory_space<vmem>> -> memref<1x12800xf32, #tpu.memory_space<vmem>>
        %get3A_464 = tpu.memref_squeeze %get3A_463 : memref<1x12800xf32, #tpu.memory_space<vmem>> -> memref<12800xf32, #tpu.memory_space<vmem>>
        %get3A_465 = arith.index_cast %mul3A_461 : i32 to index
        %get3A_466 = tpu.vector_load %get3A_464[%get3A_465] {strides = array<i32>} : memref<12800xf32, #tpu.memory_space<vmem>>, vector<16xf32>,
        %get3A_467 = vector.shape_cast %get3A_466 : vector<16xf32> to vector<16xf32>
        %get3A_468 = arith.index_cast %mul3A_461 : i32 to index
        %get3A_469 = tpu.vector_load %arg7[%get3A_468] {strides = array<i32>} : memref<12800xf32, #tpu.memory_space<vmem>>, vector<16xf32>,
        %get3A_470 = vector.shape_cast %get3A_469 : vector<16xf32> to vector<16xf32>
        %add3A_471 = arith.addf %get3A_467, %get3A_470 : vector<16xf32>
        %swap3A_472 = arith.constant 0 : i32
        %swap3A_473 = tpu.memref_slice %arg6[%scan3A_215, %swap3A_472] : memref<4x12800xf32, #tpu.memory_space<vmem>> -> memref<1x12800xf32, #tpu.memory_space<vmem>>
        %swap3A_474 = tpu.memref_squeeze %swap3A_473 : memref<1x12800xf32, #tpu.memory_space<vmem>> -> memref<12800xf32, #tpu.memory_space<vmem>>
        %swap3A_475 = arith.index_cast %mul3A_461 : i32 to index
        %swap3A_476 = tpu.vector_load %swap3A_474[%swap3A_475] {strides = array<i32>} : memref<12800xf32, #tpu.memory_space<vmem>>, vector<16xf32>,
        %swap3A_477 = vector.shape_cast %swap3A_476 : vector<16xf32> to vector<16xf32>
        %swap3A_478 = vector.shape_cast %add3A_471 : vector<16xf32> to vector<16xf32>
        tpu.vector_store %swap3A_474[%swap3A_475], %swap3A_478 {strides = array<i32>} : memref<12800xf32, #tpu.memory_space<vmem>>, vector<16xf32>,
        %mul3A_479 = arith.constant 8 : i32
        %mul3A_480 = arith.muli %scan3A_342, %mul3A_479 : i32
        %add3A_481 = arith.constant 6 : i32
        %add3A_482 = arith.addi %mul3A_480, %add3A_481 : i32
        %mul3A_483 = arith.constant 16 : i32
        %mul3A_484 = arith.muli %add3A_482, %mul3A_483 : i32
        %get3A_485 = arith.constant 0 : i32
        %get3A_486 = tpu.memref_slice %arg5[%scan3A_214, %get3A_485] : memref<4x12800xf32, #tpu.memory_space<vmem>> -> memref<1x12800xf32, #tpu.memory_space<vmem>>
        %get3A_487 = tpu.memref_squeeze %get3A_486 : memref<1x12800xf32, #tpu.memory_space<vmem>> -> memref<12800xf32, #tpu.memory_space<vmem>>
        %get3A_488 = arith.index_cast %mul3A_484 : i32 to index
        %get3A_489 = tpu.vector_load %get3A_487[%get3A_488] {strides = array<i32>} : memref<12800xf32, #tpu.memory_space<vmem>>, vector<16xf32>,
        %get3A_490 = vector.shape_cast %get3A_489 : vector<16xf32> to vector<16xf32>
        %get3A_491 = arith.index_cast %mul3A_484 : i32 to index
        %get3A_492 = tpu.vector_load %arg7[%get3A_491] {strides = array<i32>} : memref<12800xf32, #tpu.memory_space<vmem>>, vector<16xf32>,
        %get3A_493 = vector.shape_cast %get3A_492 : vector<16xf32> to vector<16xf32>
        %add3A_494 = arith.addf %get3A_490, %get3A_493 : vector<16xf32>
        %swap3A_495 = arith.constant 0 : i32
        %swap3A_496 = tpu.memref_slice %arg6[%scan3A_215, %swap3A_495] : memref<4x12800xf32, #tpu.memory_space<vmem>> -> memref<1x12800xf32, #tpu.memory_space<vmem>>
        %swap3A_497 = tpu.memref_squeeze %swap3A_496 : memref<1x12800xf32, #tpu.memory_space<vmem>> -> memref<12800xf32, #tpu.memory_space<vmem>>
        %swap3A_498 = arith.index_cast %mul3A_484 : i32 to index
        %swap3A_499 = tpu.vector_load %swap3A_497[%swap3A_498] {strides = array<i32>} : memref<12800xf32, #tpu.memory_space<vmem>>, vector<16xf32>,
        %swap3A_500 = vector.shape_cast %swap3A_499 : vector<16xf32> to vector<16xf32>
        %swap3A_501 = vector.shape_cast %add3A_494 : vector<16xf32> to vector<16xf32>
        tpu.vector_store %swap3A_497[%swap3A_498], %swap3A_501 {strides = array<i32>} : memref<12800xf32, #tpu.memory_space<vmem>>, vector<16xf32>,
        %mul3A_502 = arith.constant 8 : i32
        %mul3A_503 = arith.muli %scan3A_342, %mul3A_502 : i32
        %add3A_504 = arith.constant 7 : i32
        %add3A_505 = arith.addi %mul3A_503, %add3A_504 : i32
        %mul3A_506 = arith.constant 16 : i32
        %mul3A_507 = arith.muli %add3A_505, %mul3A_506 : i32
        %get3A_508 = arith.constant 0 : i32
        %get3A_509 = tpu.memref_slice %arg5[%scan3A_214, %get3A_508] : memref<4x12800xf32, #tpu.memory_space<vmem>> -> memref<1x12800xf32, #tpu.memory_space<vmem>>
        %get3A_510 = tpu.memref_squeeze %get3A_509 : memref<1x12800xf32, #tpu.memory_space<vmem>> -> memref<12800xf32, #tpu.memory_space<vmem>>
        %get3A_511 = arith.index_cast %mul3A_507 : i32 to index
        %get3A_512 = tpu.vector_load %get3A_510[%get3A_511] {strides = array<i32>} : memref<12800xf32, #tpu.memory_space<vmem>>, vector<16xf32>,
        %get3A_513 = vector.shape_cast %get3A_512 : vector<16xf32> to vector<16xf32>
        %get3A_514 = arith.index_cast %mul3A_507 : i32 to index
        %get3A_515 = tpu.vector_load %arg7[%get3A_514] {strides = array<i32>} : memref<12800xf32, #tpu.memory_space<vmem>>, vector<16xf32>,
        %get3A_516 = vector.shape_cast %get3A_515 : vector<16xf32> to vector<16xf32>
        %add3A_517 = arith.addf %get3A_513, %get3A_516 : vector<16xf32>
        %swap3A_518 = arith.constant 0 : i32
        %swap3A_519 = tpu.memref_slice %arg6[%scan3A_215, %swap3A_518] : memref<4x12800xf32, #tpu.memory_space<vmem>> -> memref<1x12800xf32, #tpu.memory_space<vmem>>
        %swap3A_520 = tpu.memref_squeeze %swap3A_519 : memref<1x12800xf32, #tpu.memory_space<vmem>> -> memref<12800xf32, #tpu.memory_space<vmem>>
        %swap3A_521 = arith.index_cast %mul3A_507 : i32 to index
        %swap3A_522 = tpu.vector_load %swap3A_520[%swap3A_521] {strides = array<i32>} : memref<12800xf32, #tpu.memory_space<vmem>>, vector<16xf32>,
        %swap3A_523 = vector.shape_cast %swap3A_522 : vector<16xf32> to vector<16xf32>
        %swap3A_524 = vector.shape_cast %add3A_517 : vector<16xf32> to vector<16xf32>
        tpu.vector_store %swap3A_520[%swap3A_521], %swap3A_524 {strides = array<i32>} : memref<12800xf32, #tpu.memory_space<vmem>>, vector<16xf32>,
      }
      %scan3A_220 = arith.constant 100 : i32
      %add3A_221 = arith.constant 1 : i32
      %add3A_222 = arith.addi %add3A_145, %add3A_221 : i32
      %mul3A_223 = arith.constant 12800 : i32
      %mul3A_224 = arith.muli %add3A_222, %mul3A_223 : i32
      %dma_start3A_225 = arith.constant 1 : i32
      %dma_start3A_226 = arith.constant 1 : i32
      %dma_start3A_227 = arith.constant 0 : i32
      %dma_start3A_228 = tpu.memref_slice %arg6[%dma_start3A_225, %dma_start3A_227] : memref<4x12800xf32, #tpu.memory_space<vmem>> -> memref<1x12800xf32, #tpu.memory_space<vmem>>
      %dma_start3A_229 = tpu.memref_squeeze %dma_start3A_228 : memref<1x12800xf32, #tpu.memory_space<vmem>> -> memref<12800xf32, #tpu.memory_space<vmem>>
      %dma_start3A_230 = tpu.memref_slice %arg4[%mul3A_224] : memref<52428800xf32, #tpu.memory_space<hbm>> -> memref<12800xf32, #tpu.memory_space<hbm>>
      %dma_start3A_231 = tpu.memref_slice %arg9[%dma_start3A_226] : memref<4x!tpu.dma_semaphore, #tpu.memory_space<semaphore_mem>> -> memref<1x!tpu.dma_semaphore, #tpu.memory_space<semaphore_mem>>
      %dma_start3A_232 = tpu.memref_squeeze %dma_start3A_231 : memref<1x!tpu.dma_semaphore, #tpu.memory_space<semaphore_mem>> -> memref<!tpu.dma_semaphore, #tpu.memory_space<semaphore_mem>>
      %dma_start3A_233 = tpu.memref_slice %arg4[%mul3A_224] : memref<52428800xf32, #tpu.memory_space<hbm>> -> memref<12800xf32, #tpu.memory_space<hbm>>
      %dma_start3A_234 = arith.constant 0 : i32
      %dma_start3A_235 = tpu.memref_slice %arg6[%dma_start3A_225, %dma_start3A_234] : memref<4x12800xf32, #tpu.memory_space<vmem>> -> memref<1x12800xf32, #tpu.memory_space<vmem>>
      %dma_start3A_236 = tpu.memref_squeeze %dma_start3A_235 : memref<1x12800xf32, #tpu.memory_space<vmem>> -> memref<12800xf32, #tpu.memory_space<vmem>>
      tpu.enqueue_dma source(%dma_start3A_236 : memref<12800xf32, #tpu.memory_space<vmem>>) target(%dma_start3A_233 : memref<12800xf32, #tpu.memory_space<hbm>>) target_semaphore(%dma_start3A_232 : memref<!tpu.dma_semaphore, #tpu.memory_space<semaphore_mem>>)
      %lt3A_237 = arith.constant 31 : i32
      %lt3A_238 = arith.cmpi slt, %scan3A_142, %lt3A_237 : i32
      %convert_element_type3A_239 = arith.extui %lt3A_238 : i1 to i32
      %cond3A_240 = arith.constant 0 : i32
      %cond3A_241 = arith.cmpi ne, %convert_element_type3A_239, %cond3A_240 : i32
      scf.if %cond3A_241 {
        %add3A_342 = arith.constant 4 : i32
        %add3A_343 = arith.addi %add3A_145, %add3A_342 : i32
        %add3A_344 = arith.constant 1 : i32
        %add3A_345 = arith.addi %add3A_343, %add3A_344 : i32
        %mul3A_346 = arith.constant 12800 : i32
        %mul3A_347 = arith.muli %add3A_345, %mul3A_346 : i32
        %dma_start3A_348 = arith.constant 1 : i32
        %dma_start3A_349 = arith.constant 1 : i32
        %dma_start3A_350 = arith.constant 0 : i32
        %dma_start3A_351 = tpu.memref_slice %arg5[%dma_start3A_348, %dma_start3A_350] : memref<4x12800xf32, #tpu.memory_space<vmem>> -> memref<1x12800xf32, #tpu.memory_space<vmem>>
        %dma_start3A_352 = tpu.memref_squeeze %dma_start3A_351 : memref<1x12800xf32, #tpu.memory_space<vmem>> -> memref<12800xf32, #tpu.memory_space<vmem>>
        %dma_start3A_353 = tpu.memref_slice %arg2[%mul3A_347] : memref<52428800xf32, #tpu.memory_space<hbm>> -> memref<12800xf32, #tpu.memory_space<hbm>>
        %dma_start3A_354 = tpu.memref_slice %arg8[%dma_start3A_349] : memref<4x!tpu.dma_semaphore, #tpu.memory_space<semaphore_mem>> -> memref<1x!tpu.dma_semaphore, #tpu.memory_space<semaphore_mem>>
        %dma_start3A_355 = tpu.memref_squeeze %dma_start3A_354 : memref<1x!tpu.dma_semaphore, #tpu.memory_space<semaphore_mem>> -> memref<!tpu.dma_semaphore, #tpu.memory_space<semaphore_mem>>
        %dma_start3A_356 = arith.constant 0 : i32
        %dma_start3A_357 = tpu.memref_slice %arg5[%dma_start3A_348, %dma_start3A_356] : memref<4x12800xf32, #tpu.memory_space<vmem>> -> memref<1x12800xf32, #tpu.memory_space<vmem>>
        %dma_start3A_358 = tpu.memref_squeeze %dma_start3A_357 : memref<1x12800xf32, #tpu.memory_space<vmem>> -> memref<12800xf32, #tpu.memory_space<vmem>>
        %dma_start3A_359 = tpu.memref_slice %arg2[%mul3A_347] : memref<52428800xf32, #tpu.memory_space<hbm>> -> memref<12800xf32, #tpu.memory_space<hbm>>
        tpu.enqueue_dma source(%dma_start3A_359 : memref<12800xf32, #tpu.memory_space<hbm>>) target(%dma_start3A_358 : memref<12800xf32, #tpu.memory_space<vmem>>) target_semaphore(%dma_start3A_355 : memref<!tpu.dma_semaphore, #tpu.memory_space<semaphore_mem>>)
      } else {
      }
      %add3A_242 = arith.constant 2 : i32
      %add3A_243 = arith.addi %add3A_145, %add3A_242 : i32
      %mul3A_244 = arith.constant 12800 : i32
      %mul3A_245 = arith.muli %add3A_243, %mul3A_244 : i32
      %dma_wait3A_246 = arith.constant 2 : i32
      %dma_wait3A_247 = arith.constant 2 : i32
      %dma_wait3A_248 = arith.constant 0 : i32
      %dma_wait3A_249 = tpu.memref_slice %arg5[%dma_wait3A_246, %dma_wait3A_248] : memref<4x12800xf32, #tpu.memory_space<vmem>> -> memref<1x12800xf32, #tpu.memory_space<vmem>>
      %dma_wait3A_250 = tpu.memref_squeeze %dma_wait3A_249 : memref<1x12800xf32, #tpu.memory_space<vmem>> -> memref<12800xf32, #tpu.memory_space<vmem>>
      %dma_wait3A_251 = tpu.memref_slice %arg2[%mul3A_245] : memref<52428800xf32, #tpu.memory_space<hbm>> -> memref<12800xf32, #tpu.memory_space<hbm>>
      %dma_wait3A_252 = tpu.memref_slice %arg8[%dma_wait3A_247] : memref<4x!tpu.dma_semaphore, #tpu.memory_space<semaphore_mem>> -> memref<1x!tpu.dma_semaphore, #tpu.memory_space<semaphore_mem>>
      %dma_wait3A_253 = tpu.memref_squeeze %dma_wait3A_252 : memref<1x!tpu.dma_semaphore, #tpu.memory_space<semaphore_mem>> -> memref<!tpu.dma_semaphore, #tpu.memory_space<semaphore_mem>>
      %dma_wait3A_254 = arith.constant 0 : i32
      %dma_wait3A_255 = tpu.memref_slice %arg5[%dma_wait3A_246, %dma_wait3A_254] : memref<4x12800xf32, #tpu.memory_space<vmem>> -> memref<1x12800xf32, #tpu.memory_space<vmem>>
      %dma_wait3A_256 = tpu.memref_squeeze %dma_wait3A_255 : memref<1x12800xf32, #tpu.memory_space<vmem>> -> memref<12800xf32, #tpu.memory_space<vmem>>
      %dma_wait3A_257 = tpu.memref_slice %arg2[%mul3A_245] : memref<52428800xf32, #tpu.memory_space<hbm>> -> memref<12800xf32, #tpu.memory_space<hbm>>
      tpu.wait_dma2 semaphore(%dma_wait3A_253 : memref<!tpu.dma_semaphore, #tpu.memory_space<semaphore_mem>>) src(%dma_wait3A_257 : memref<12800xf32, #tpu.memory_space<hbm>>) dst(%dma_wait3A_256 : memref<12800xf32, #tpu.memory_space<vmem>>)
      %gt3A_258 = arith.constant 0 : i32
      %gt3A_259 = arith.cmpi sgt, %scan3A_142, %gt3A_258 : i32
      %convert_element_type3A_260 = arith.extui %gt3A_259 : i1 to i32
      %cond3A_261 = arith.constant 0 : i32
      %cond3A_262 = arith.cmpi ne, %convert_element_type3A_260, %cond3A_261 : i32
      scf.if %cond3A_262 {
        %sub3A = arith.constant 4 : i32
        %sub3A_342 = arith.subi %add3A_145, %sub3A : i32
        %add3A_343 = arith.constant 2 : i32
        %add3A_344 = arith.addi %sub3A_342, %add3A_343 : i32
        %mul3A_345 = arith.constant 12800 : i32
        %mul3A_346 = arith.muli %add3A_344, %mul3A_345 : i32
        %dma_wait3A_347 = arith.constant 2 : i32
        %dma_wait3A_348 = arith.constant 2 : i32
        %dma_wait3A_349 = arith.constant 0 : i32
        %dma_wait3A_350 = tpu.memref_slice %arg6[%dma_wait3A_347, %dma_wait3A_349] : memref<4x12800xf32, #tpu.memory_space<vmem>> -> memref<1x12800xf32, #tpu.memory_space<vmem>>
        %dma_wait3A_351 = tpu.memref_squeeze %dma_wait3A_350 : memref<1x12800xf32, #tpu.memory_space<vmem>> -> memref<12800xf32, #tpu.memory_space<vmem>>
        %dma_wait3A_352 = tpu.memref_slice %arg4[%mul3A_346] : memref<52428800xf32, #tpu.memory_space<hbm>> -> memref<12800xf32, #tpu.memory_space<hbm>>
        %dma_wait3A_353 = tpu.memref_slice %arg9[%dma_wait3A_348] : memref<4x!tpu.dma_semaphore, #tpu.memory_space<semaphore_mem>> -> memref<1x!tpu.dma_semaphore, #tpu.memory_space<semaphore_mem>>
        %dma_wait3A_354 = tpu.memref_squeeze %dma_wait3A_353 : memref<1x!tpu.dma_semaphore, #tpu.memory_space<semaphore_mem>> -> memref<!tpu.dma_semaphore, #tpu.memory_space<semaphore_mem>>
        %dma_wait3A_355 = tpu.memref_slice %arg4[%mul3A_346] : memref<52428800xf32, #tpu.memory_space<hbm>> -> memref<12800xf32, #tpu.memory_space<hbm>>
        %dma_wait3A_356 = arith.constant 0 : i32
        %dma_wait3A_357 = tpu.memref_slice %arg6[%dma_wait3A_347, %dma_wait3A_356] : memref<4x12800xf32, #tpu.memory_space<vmem>> -> memref<1x12800xf32, #tpu.memory_space<vmem>>
        %dma_wait3A_358 = tpu.memref_squeeze %dma_wait3A_357 : memref<1x12800xf32, #tpu.memory_space<vmem>> -> memref<12800xf32, #tpu.memory_space<vmem>>
        tpu.wait_dma2 semaphore(%dma_wait3A_354 : memref<!tpu.dma_semaphore, #tpu.memory_space<semaphore_mem>>) src(%dma_wait3A_358 : memref<12800xf32, #tpu.memory_space<vmem>>) dst(%dma_wait3A_355 : memref<12800xf32, #tpu.memory_space<hbm>>)
      } else {
      }
      %scan3A_263 = arith.constant 0 : i32
      %scan3A_264 = arith.constant 2 : i32
      %scan3A_265 = arith.constant 2 : i32
      %scan3A_266 = arith.constant 0 : i32
      %scan3A_267 = arith.constant 100 : i32
      %scan3A_268 = arith.addi %scan3A_266, %scan3A_267 : i32
      %scan3A_269 = arith.constant 1 : i32
      scf.for %scan3A_342 = %scan3A_266 to %scan3A_268 step %scan3A_269  : i32 {
        %mul3A_343 = arith.constant 8 : i32
        %mul3A_344 = arith.muli %scan3A_342, %mul3A_343 : i32
        %add3A_345 = arith.constant 0 : i32
        %add3A_346 = arith.addi %mul3A_344, %add3A_345 : i32
        %mul3A_347 = arith.constant 16 : i32
        %mul3A_348 = arith.muli %add3A_346, %mul3A_347 : i32
        %get3A = arith.constant 0 : i32
        %get3A_349 = tpu.memref_slice %arg5[%scan3A_264, %get3A] : memref<4x12800xf32, #tpu.memory_space<vmem>> -> memref<1x12800xf32, #tpu.memory_space<vmem>>
        %get3A_350 = tpu.memref_squeeze %get3A_349 : memref<1x12800xf32, #tpu.memory_space<vmem>> -> memref<12800xf32, #tpu.memory_space<vmem>>
        %get3A_351 = arith.index_cast %mul3A_348 : i32 to index
        %get3A_352 = tpu.vector_load %get3A_350[%get3A_351] {strides = array<i32>} : memref<12800xf32, #tpu.memory_space<vmem>>, vector<16xf32>,
        %get3A_353 = vector.shape_cast %get3A_352 : vector<16xf32> to vector<16xf32>
        %get3A_354 = arith.index_cast %mul3A_348 : i32 to index
        %get3A_355 = tpu.vector_load %arg7[%get3A_354] {strides = array<i32>} : memref<12800xf32, #tpu.memory_space<vmem>>, vector<16xf32>,
        %get3A_356 = vector.shape_cast %get3A_355 : vector<16xf32> to vector<16xf32>
        %add3A_357 = arith.addf %get3A_353, %get3A_356 : vector<16xf32>
        %swap3A = arith.constant 0 : i32
        %swap3A_358 = tpu.memref_slice %arg6[%scan3A_265, %swap3A] : memref<4x12800xf32, #tpu.memory_space<vmem>> -> memref<1x12800xf32, #tpu.memory_space<vmem>>
        %swap3A_359 = tpu.memref_squeeze %swap3A_358 : memref<1x12800xf32, #tpu.memory_space<vmem>> -> memref<12800xf32, #tpu.memory_space<vmem>>
        %swap3A_360 = arith.index_cast %mul3A_348 : i32 to index
        %swap3A_361 = tpu.vector_load %swap3A_359[%swap3A_360] {strides = array<i32>} : memref<12800xf32, #tpu.memory_space<vmem>>, vector<16xf32>,
        %swap3A_362 = vector.shape_cast %swap3A_361 : vector<16xf32> to vector<16xf32>
        %swap3A_363 = vector.shape_cast %add3A_357 : vector<16xf32> to vector<16xf32>
        tpu.vector_store %swap3A_359[%swap3A_360], %swap3A_363 {strides = array<i32>} : memref<12800xf32, #tpu.memory_space<vmem>>, vector<16xf32>,
        %mul3A_364 = arith.constant 8 : i32
        %mul3A_365 = arith.muli %scan3A_342, %mul3A_364 : i32
        %add3A_366 = arith.constant 1 : i32
        %add3A_367 = arith.addi %mul3A_365, %add3A_366 : i32
        %mul3A_368 = arith.constant 16 : i32
        %mul3A_369 = arith.muli %add3A_367, %mul3A_368 : i32
        %get3A_370 = arith.constant 0 : i32
        %get3A_371 = tpu.memref_slice %arg5[%scan3A_264, %get3A_370] : memref<4x12800xf32, #tpu.memory_space<vmem>> -> memref<1x12800xf32, #tpu.memory_space<vmem>>
        %get3A_372 = tpu.memref_squeeze %get3A_371 : memref<1x12800xf32, #tpu.memory_space<vmem>> -> memref<12800xf32, #tpu.memory_space<vmem>>
        %get3A_373 = arith.index_cast %mul3A_369 : i32 to index
        %get3A_374 = tpu.vector_load %get3A_372[%get3A_373] {strides = array<i32>} : memref<12800xf32, #tpu.memory_space<vmem>>, vector<16xf32>,
        %get3A_375 = vector.shape_cast %get3A_374 : vector<16xf32> to vector<16xf32>
        %get3A_376 = arith.index_cast %mul3A_369 : i32 to index
        %get3A_377 = tpu.vector_load %arg7[%get3A_376] {strides = array<i32>} : memref<12800xf32, #tpu.memory_space<vmem>>, vector<16xf32>,
        %get3A_378 = vector.shape_cast %get3A_377 : vector<16xf32> to vector<16xf32>
        %add3A_379 = arith.addf %get3A_375, %get3A_378 : vector<16xf32>
        %swap3A_380 = arith.constant 0 : i32
        %swap3A_381 = tpu.memref_slice %arg6[%scan3A_265, %swap3A_380] : memref<4x12800xf32, #tpu.memory_space<vmem>> -> memref<1x12800xf32, #tpu.memory_space<vmem>>
        %swap3A_382 = tpu.memref_squeeze %swap3A_381 : memref<1x12800xf32, #tpu.memory_space<vmem>> -> memref<12800xf32, #tpu.memory_space<vmem>>
        %swap3A_383 = arith.index_cast %mul3A_369 : i32 to index
        %swap3A_384 = tpu.vector_load %swap3A_382[%swap3A_383] {strides = array<i32>} : memref<12800xf32, #tpu.memory_space<vmem>>, vector<16xf32>,
        %swap3A_385 = vector.shape_cast %swap3A_384 : vector<16xf32> to vector<16xf32>
        %swap3A_386 = vector.shape_cast %add3A_379 : vector<16xf32> to vector<16xf32>
        tpu.vector_store %swap3A_382[%swap3A_383], %swap3A_386 {strides = array<i32>} : memref<12800xf32, #tpu.memory_space<vmem>>, vector<16xf32>,
        %mul3A_387 = arith.constant 8 : i32
        %mul3A_388 = arith.muli %scan3A_342, %mul3A_387 : i32
        %add3A_389 = arith.constant 2 : i32
        %add3A_390 = arith.addi %mul3A_388, %add3A_389 : i32
        %mul3A_391 = arith.constant 16 : i32
        %mul3A_392 = arith.muli %add3A_390, %mul3A_391 : i32
        %get3A_393 = arith.constant 0 : i32
        %get3A_394 = tpu.memref_slice %arg5[%scan3A_264, %get3A_393] : memref<4x12800xf32, #tpu.memory_space<vmem>> -> memref<1x12800xf32, #tpu.memory_space<vmem>>
        %get3A_395 = tpu.memref_squeeze %get3A_394 : memref<1x12800xf32, #tpu.memory_space<vmem>> -> memref<12800xf32, #tpu.memory_space<vmem>>
        %get3A_396 = arith.index_cast %mul3A_392 : i32 to index
        %get3A_397 = tpu.vector_load %get3A_395[%get3A_396] {strides = array<i32>} : memref<12800xf32, #tpu.memory_space<vmem>>, vector<16xf32>,
        %get3A_398 = vector.shape_cast %get3A_397 : vector<16xf32> to vector<16xf32>
        %get3A_399 = arith.index_cast %mul3A_392 : i32 to index
        %get3A_400 = tpu.vector_load %arg7[%get3A_399] {strides = array<i32>} : memref<12800xf32, #tpu.memory_space<vmem>>, vector<16xf32>,
        %get3A_401 = vector.shape_cast %get3A_400 : vector<16xf32> to vector<16xf32>
        %add3A_402 = arith.addf %get3A_398, %get3A_401 : vector<16xf32>
        %swap3A_403 = arith.constant 0 : i32
        %swap3A_404 = tpu.memref_slice %arg6[%scan3A_265, %swap3A_403] : memref<4x12800xf32, #tpu.memory_space<vmem>> -> memref<1x12800xf32, #tpu.memory_space<vmem>>
        %swap3A_405 = tpu.memref_squeeze %swap3A_404 : memref<1x12800xf32, #tpu.memory_space<vmem>> -> memref<12800xf32, #tpu.memory_space<vmem>>
        %swap3A_406 = arith.index_cast %mul3A_392 : i32 to index
        %swap3A_407 = tpu.vector_load %swap3A_405[%swap3A_406] {strides = array<i32>} : memref<12800xf32, #tpu.memory_space<vmem>>, vector<16xf32>,
        %swap3A_408 = vector.shape_cast %swap3A_407 : vector<16xf32> to vector<16xf32>
        %swap3A_409 = vector.shape_cast %add3A_402 : vector<16xf32> to vector<16xf32>
        tpu.vector_store %swap3A_405[%swap3A_406], %swap3A_409 {strides = array<i32>} : memref<12800xf32, #tpu.memory_space<vmem>>, vector<16xf32>,
        %mul3A_410 = arith.constant 8 : i32
        %mul3A_411 = arith.muli %scan3A_342, %mul3A_410 : i32
        %add3A_412 = arith.constant 3 : i32
        %add3A_413 = arith.addi %mul3A_411, %add3A_412 : i32
        %mul3A_414 = arith.constant 16 : i32
        %mul3A_415 = arith.muli %add3A_413, %mul3A_414 : i32
        %get3A_416 = arith.constant 0 : i32
        %get3A_417 = tpu.memref_slice %arg5[%scan3A_264, %get3A_416] : memref<4x12800xf32, #tpu.memory_space<vmem>> -> memref<1x12800xf32, #tpu.memory_space<vmem>>
        %get3A_418 = tpu.memref_squeeze %get3A_417 : memref<1x12800xf32, #tpu.memory_space<vmem>> -> memref<12800xf32, #tpu.memory_space<vmem>>
        %get3A_419 = arith.index_cast %mul3A_415 : i32 to index
        %get3A_420 = tpu.vector_load %get3A_418[%get3A_419] {strides = array<i32>} : memref<12800xf32, #tpu.memory_space<vmem>>, vector<16xf32>,
        %get3A_421 = vector.shape_cast %get3A_420 : vector<16xf32> to vector<16xf32>
        %get3A_422 = arith.index_cast %mul3A_415 : i32 to index
        %get3A_423 = tpu.vector_load %arg7[%get3A_422] {strides = array<i32>} : memref<12800xf32, #tpu.memory_space<vmem>>, vector<16xf32>,
        %get3A_424 = vector.shape_cast %get3A_423 : vector<16xf32> to vector<16xf32>
        %add3A_425 = arith.addf %get3A_421, %get3A_424 : vector<16xf32>
        %swap3A_426 = arith.constant 0 : i32
        %swap3A_427 = tpu.memref_slice %arg6[%scan3A_265, %swap3A_426] : memref<4x12800xf32, #tpu.memory_space<vmem>> -> memref<1x12800xf32, #tpu.memory_space<vmem>>
        %swap3A_428 = tpu.memref_squeeze %swap3A_427 : memref<1x12800xf32, #tpu.memory_space<vmem>> -> memref<12800xf32, #tpu.memory_space<vmem>>
        %swap3A_429 = arith.index_cast %mul3A_415 : i32 to index
        %swap3A_430 = tpu.vector_load %swap3A_428[%swap3A_429] {strides = array<i32>} : memref<12800xf32, #tpu.memory_space<vmem>>, vector<16xf32>,
        %swap3A_431 = vector.shape_cast %swap3A_430 : vector<16xf32> to vector<16xf32>
        %swap3A_432 = vector.shape_cast %add3A_425 : vector<16xf32> to vector<16xf32>
        tpu.vector_store %swap3A_428[%swap3A_429], %swap3A_432 {strides = array<i32>} : memref<12800xf32, #tpu.memory_space<vmem>>, vector<16xf32>,
        %mul3A_433 = arith.constant 8 : i32
        %mul3A_434 = arith.muli %scan3A_342, %mul3A_433 : i32
        %add3A_435 = arith.constant 4 : i32
        %add3A_436 = arith.addi %mul3A_434, %add3A_435 : i32
        %mul3A_437 = arith.constant 16 : i32
        %mul3A_438 = arith.muli %add3A_436, %mul3A_437 : i32
        %get3A_439 = arith.constant 0 : i32
        %get3A_440 = tpu.memref_slice %arg5[%scan3A_264, %get3A_439] : memref<4x12800xf32, #tpu.memory_space<vmem>> -> memref<1x12800xf32, #tpu.memory_space<vmem>>
        %get3A_441 = tpu.memref_squeeze %get3A_440 : memref<1x12800xf32, #tpu.memory_space<vmem>> -> memref<12800xf32, #tpu.memory_space<vmem>>
        %get3A_442 = arith.index_cast %mul3A_438 : i32 to index
        %get3A_443 = tpu.vector_load %get3A_441[%get3A_442] {strides = array<i32>} : memref<12800xf32, #tpu.memory_space<vmem>>, vector<16xf32>,
        %get3A_444 = vector.shape_cast %get3A_443 : vector<16xf32> to vector<16xf32>
        %get3A_445 = arith.index_cast %mul3A_438 : i32 to index
        %get3A_446 = tpu.vector_load %arg7[%get3A_445] {strides = array<i32>} : memref<12800xf32, #tpu.memory_space<vmem>>, vector<16xf32>,
        %get3A_447 = vector.shape_cast %get3A_446 : vector<16xf32> to vector<16xf32>
        %add3A_448 = arith.addf %get3A_444, %get3A_447 : vector<16xf32>
        %swap3A_449 = arith.constant 0 : i32
        %swap3A_450 = tpu.memref_slice %arg6[%scan3A_265, %swap3A_449] : memref<4x12800xf32, #tpu.memory_space<vmem>> -> memref<1x12800xf32, #tpu.memory_space<vmem>>
        %swap3A_451 = tpu.memref_squeeze %swap3A_450 : memref<1x12800xf32, #tpu.memory_space<vmem>> -> memref<12800xf32, #tpu.memory_space<vmem>>
        %swap3A_452 = arith.index_cast %mul3A_438 : i32 to index
        %swap3A_453 = tpu.vector_load %swap3A_451[%swap3A_452] {strides = array<i32>} : memref<12800xf32, #tpu.memory_space<vmem>>, vector<16xf32>,
        %swap3A_454 = vector.shape_cast %swap3A_453 : vector<16xf32> to vector<16xf32>
        %swap3A_455 = vector.shape_cast %add3A_448 : vector<16xf32> to vector<16xf32>
        tpu.vector_store %swap3A_451[%swap3A_452], %swap3A_455 {strides = array<i32>} : memref<12800xf32, #tpu.memory_space<vmem>>, vector<16xf32>,
        %mul3A_456 = arith.constant 8 : i32
        %mul3A_457 = arith.muli %scan3A_342, %mul3A_456 : i32
        %add3A_458 = arith.constant 5 : i32
        %add3A_459 = arith.addi %mul3A_457, %add3A_458 : i32
        %mul3A_460 = arith.constant 16 : i32
        %mul3A_461 = arith.muli %add3A_459, %mul3A_460 : i32
        %get3A_462 = arith.constant 0 : i32
        %get3A_463 = tpu.memref_slice %arg5[%scan3A_264, %get3A_462] : memref<4x12800xf32, #tpu.memory_space<vmem>> -> memref<1x12800xf32, #tpu.memory_space<vmem>>
        %get3A_464 = tpu.memref_squeeze %get3A_463 : memref<1x12800xf32, #tpu.memory_space<vmem>> -> memref<12800xf32, #tpu.memory_space<vmem>>
        %get3A_465 = arith.index_cast %mul3A_461 : i32 to index
        %get3A_466 = tpu.vector_load %get3A_464[%get3A_465] {strides = array<i32>} : memref<12800xf32, #tpu.memory_space<vmem>>, vector<16xf32>,
        %get3A_467 = vector.shape_cast %get3A_466 : vector<16xf32> to vector<16xf32>
        %get3A_468 = arith.index_cast %mul3A_461 : i32 to index
        %get3A_469 = tpu.vector_load %arg7[%get3A_468] {strides = array<i32>} : memref<12800xf32, #tpu.memory_space<vmem>>, vector<16xf32>,
        %get3A_470 = vector.shape_cast %get3A_469 : vector<16xf32> to vector<16xf32>
        %add3A_471 = arith.addf %get3A_467, %get3A_470 : vector<16xf32>
        %swap3A_472 = arith.constant 0 : i32
        %swap3A_473 = tpu.memref_slice %arg6[%scan3A_265, %swap3A_472] : memref<4x12800xf32, #tpu.memory_space<vmem>> -> memref<1x12800xf32, #tpu.memory_space<vmem>>
        %swap3A_474 = tpu.memref_squeeze %swap3A_473 : memref<1x12800xf32, #tpu.memory_space<vmem>> -> memref<12800xf32, #tpu.memory_space<vmem>>
        %swap3A_475 = arith.index_cast %mul3A_461 : i32 to index
        %swap3A_476 = tpu.vector_load %swap3A_474[%swap3A_475] {strides = array<i32>} : memref<12800xf32, #tpu.memory_space<vmem>>, vector<16xf32>,
        %swap3A_477 = vector.shape_cast %swap3A_476 : vector<16xf32> to vector<16xf32>
        %swap3A_478 = vector.shape_cast %add3A_471 : vector<16xf32> to vector<16xf32>
        tpu.vector_store %swap3A_474[%swap3A_475], %swap3A_478 {strides = array<i32>} : memref<12800xf32, #tpu.memory_space<vmem>>, vector<16xf32>,
        %mul3A_479 = arith.constant 8 : i32
        %mul3A_480 = arith.muli %scan3A_342, %mul3A_479 : i32
        %add3A_481 = arith.constant 6 : i32
        %add3A_482 = arith.addi %mul3A_480, %add3A_481 : i32
        %mul3A_483 = arith.constant 16 : i32
        %mul3A_484 = arith.muli %add3A_482, %mul3A_483 : i32
        %get3A_485 = arith.constant 0 : i32
        %get3A_486 = tpu.memref_slice %arg5[%scan3A_264, %get3A_485] : memref<4x12800xf32, #tpu.memory_space<vmem>> -> memref<1x12800xf32, #tpu.memory_space<vmem>>
        %get3A_487 = tpu.memref_squeeze %get3A_486 : memref<1x12800xf32, #tpu.memory_space<vmem>> -> memref<12800xf32, #tpu.memory_space<vmem>>
        %get3A_488 = arith.index_cast %mul3A_484 : i32 to index
        %get3A_489 = tpu.vector_load %get3A_487[%get3A_488] {strides = array<i32>} : memref<12800xf32, #tpu.memory_space<vmem>>, vector<16xf32>,
        %get3A_490 = vector.shape_cast %get3A_489 : vector<16xf32> to vector<16xf32>
        %get3A_491 = arith.index_cast %mul3A_484 : i32 to index
        %get3A_492 = tpu.vector_load %arg7[%get3A_491] {strides = array<i32>} : memref<12800xf32, #tpu.memory_space<vmem>>, vector<16xf32>,
        %get3A_493 = vector.shape_cast %get3A_492 : vector<16xf32> to vector<16xf32>
        %add3A_494 = arith.addf %get3A_490, %get3A_493 : vector<16xf32>
        %swap3A_495 = arith.constant 0 : i32
        %swap3A_496 = tpu.memref_slice %arg6[%scan3A_265, %swap3A_495] : memref<4x12800xf32, #tpu.memory_space<vmem>> -> memref<1x12800xf32, #tpu.memory_space<vmem>>
        %swap3A_497 = tpu.memref_squeeze %swap3A_496 : memref<1x12800xf32, #tpu.memory_space<vmem>> -> memref<12800xf32, #tpu.memory_space<vmem>>
        %swap3A_498 = arith.index_cast %mul3A_484 : i32 to index
        %swap3A_499 = tpu.vector_load %swap3A_497[%swap3A_498] {strides = array<i32>} : memref<12800xf32, #tpu.memory_space<vmem>>, vector<16xf32>,
        %swap3A_500 = vector.shape_cast %swap3A_499 : vector<16xf32> to vector<16xf32>
        %swap3A_501 = vector.shape_cast %add3A_494 : vector<16xf32> to vector<16xf32>
        tpu.vector_store %swap3A_497[%swap3A_498], %swap3A_501 {strides = array<i32>} : memref<12800xf32, #tpu.memory_space<vmem>>, vector<16xf32>,
        %mul3A_502 = arith.constant 8 : i32
        %mul3A_503 = arith.muli %scan3A_342, %mul3A_502 : i32
        %add3A_504 = arith.constant 7 : i32
        %add3A_505 = arith.addi %mul3A_503, %add3A_504 : i32
        %mul3A_506 = arith.constant 16 : i32
        %mul3A_507 = arith.muli %add3A_505, %mul3A_506 : i32
        %get3A_508 = arith.constant 0 : i32
        %get3A_509 = tpu.memref_slice %arg5[%scan3A_264, %get3A_508] : memref<4x12800xf32, #tpu.memory_space<vmem>> -> memref<1x12800xf32, #tpu.memory_space<vmem>>
        %get3A_510 = tpu.memref_squeeze %get3A_509 : memref<1x12800xf32, #tpu.memory_space<vmem>> -> memref<12800xf32, #tpu.memory_space<vmem>>
        %get3A_511 = arith.index_cast %mul3A_507 : i32 to index
        %get3A_512 = tpu.vector_load %get3A_510[%get3A_511] {strides = array<i32>} : memref<12800xf32, #tpu.memory_space<vmem>>, vector<16xf32>,
        %get3A_513 = vector.shape_cast %get3A_512 : vector<16xf32> to vector<16xf32>
        %get3A_514 = arith.index_cast %mul3A_507 : i32 to index
        %get3A_515 = tpu.vector_load %arg7[%get3A_514] {strides = array<i32>} : memref<12800xf32, #tpu.memory_space<vmem>>, vector<16xf32>,
        %get3A_516 = vector.shape_cast %get3A_515 : vector<16xf32> to vector<16xf32>
        %add3A_517 = arith.addf %get3A_513, %get3A_516 : vector<16xf32>
        %swap3A_518 = arith.constant 0 : i32
        %swap3A_519 = tpu.memref_slice %arg6[%scan3A_265, %swap3A_518] : memref<4x12800xf32, #tpu.memory_space<vmem>> -> memref<1x12800xf32, #tpu.memory_space<vmem>>
        %swap3A_520 = tpu.memref_squeeze %swap3A_519 : memref<1x12800xf32, #tpu.memory_space<vmem>> -> memref<12800xf32, #tpu.memory_space<vmem>>
        %swap3A_521 = arith.index_cast %mul3A_507 : i32 to index
        %swap3A_522 = tpu.vector_load %swap3A_520[%swap3A_521] {strides = array<i32>} : memref<12800xf32, #tpu.memory_space<vmem>>, vector<16xf32>,
        %swap3A_523 = vector.shape_cast %swap3A_522 : vector<16xf32> to vector<16xf32>
        %swap3A_524 = vector.shape_cast %add3A_517 : vector<16xf32> to vector<16xf32>
        tpu.vector_store %swap3A_520[%swap3A_521], %swap3A_524 {strides = array<i32>} : memref<12800xf32, #tpu.memory_space<vmem>>, vector<16xf32>,
      }
      %scan3A_270 = arith.constant 100 : i32
      %add3A_271 = arith.constant 2 : i32
      %add3A_272 = arith.addi %add3A_145, %add3A_271 : i32
      %mul3A_273 = arith.constant 12800 : i32
      %mul3A_274 = arith.muli %add3A_272, %mul3A_273 : i32
      %dma_start3A_275 = arith.constant 2 : i32
      %dma_start3A_276 = arith.constant 2 : i32
      %dma_start3A_277 = arith.constant 0 : i32
      %dma_start3A_278 = tpu.memref_slice %arg6[%dma_start3A_275, %dma_start3A_277] : memref<4x12800xf32, #tpu.memory_space<vmem>> -> memref<1x12800xf32, #tpu.memory_space<vmem>>
      %dma_start3A_279 = tpu.memref_squeeze %dma_start3A_278 : memref<1x12800xf32, #tpu.memory_space<vmem>> -> memref<12800xf32, #tpu.memory_space<vmem>>
      %dma_start3A_280 = tpu.memref_slice %arg4[%mul3A_274] : memref<52428800xf32, #tpu.memory_space<hbm>> -> memref<12800xf32, #tpu.memory_space<hbm>>
      %dma_start3A_281 = tpu.memref_slice %arg9[%dma_start3A_276] : memref<4x!tpu.dma_semaphore, #tpu.memory_space<semaphore_mem>> -> memref<1x!tpu.dma_semaphore, #tpu.memory_space<semaphore_mem>>
      %dma_start3A_282 = tpu.memref_squeeze %dma_start3A_281 : memref<1x!tpu.dma_semaphore, #tpu.memory_space<semaphore_mem>> -> memref<!tpu.dma_semaphore, #tpu.memory_space<semaphore_mem>>
      %dma_start3A_283 = tpu.memref_slice %arg4[%mul3A_274] : memref<52428800xf32, #tpu.memory_space<hbm>> -> memref<12800xf32, #tpu.memory_space<hbm>>
      %dma_start3A_284 = arith.constant 0 : i32
      %dma_start3A_285 = tpu.memref_slice %arg6[%dma_start3A_275, %dma_start3A_284] : memref<4x12800xf32, #tpu.memory_space<vmem>> -> memref<1x12800xf32, #tpu.memory_space<vmem>>
      %dma_start3A_286 = tpu.memref_squeeze %dma_start3A_285 : memref<1x12800xf32, #tpu.memory_space<vmem>> -> memref<12800xf32, #tpu.memory_space<vmem>>
      tpu.enqueue_dma source(%dma_start3A_286 : memref<12800xf32, #tpu.memory_space<vmem>>) target(%dma_start3A_283 : memref<12800xf32, #tpu.memory_space<hbm>>) target_semaphore(%dma_start3A_282 : memref<!tpu.dma_semaphore, #tpu.memory_space<semaphore_mem>>)
      %lt3A_287 = arith.constant 31 : i32
      %lt3A_288 = arith.cmpi slt, %scan3A_142, %lt3A_287 : i32
      %convert_element_type3A_289 = arith.extui %lt3A_288 : i1 to i32
      %cond3A_290 = arith.constant 0 : i32
      %cond3A_291 = arith.cmpi ne, %convert_element_type3A_289, %cond3A_290 : i32
      scf.if %cond3A_291 {
        %add3A_342 = arith.constant 4 : i32
        %add3A_343 = arith.addi %add3A_145, %add3A_342 : i32
        %add3A_344 = arith.constant 2 : i32
        %add3A_345 = arith.addi %add3A_343, %add3A_344 : i32
        %mul3A_346 = arith.constant 12800 : i32
        %mul3A_347 = arith.muli %add3A_345, %mul3A_346 : i32
        %dma_start3A_348 = arith.constant 2 : i32
        %dma_start3A_349 = arith.constant 2 : i32
        %dma_start3A_350 = arith.constant 0 : i32
        %dma_start3A_351 = tpu.memref_slice %arg5[%dma_start3A_348, %dma_start3A_350] : memref<4x12800xf32, #tpu.memory_space<vmem>> -> memref<1x12800xf32, #tpu.memory_space<vmem>>
        %dma_start3A_352 = tpu.memref_squeeze %dma_start3A_351 : memref<1x12800xf32, #tpu.memory_space<vmem>> -> memref<12800xf32, #tpu.memory_space<vmem>>
        %dma_start3A_353 = tpu.memref_slice %arg2[%mul3A_347] : memref<52428800xf32, #tpu.memory_space<hbm>> -> memref<12800xf32, #tpu.memory_space<hbm>>
        %dma_start3A_354 = tpu.memref_slice %arg8[%dma_start3A_349] : memref<4x!tpu.dma_semaphore, #tpu.memory_space<semaphore_mem>> -> memref<1x!tpu.dma_semaphore, #tpu.memory_space<semaphore_mem>>
        %dma_start3A_355 = tpu.memref_squeeze %dma_start3A_354 : memref<1x!tpu.dma_semaphore, #tpu.memory_space<semaphore_mem>> -> memref<!tpu.dma_semaphore, #tpu.memory_space<semaphore_mem>>
        %dma_start3A_356 = arith.constant 0 : i32
        %dma_start3A_357 = tpu.memref_slice %arg5[%dma_start3A_348, %dma_start3A_356] : memref<4x12800xf32, #tpu.memory_space<vmem>> -> memref<1x12800xf32, #tpu.memory_space<vmem>>
        %dma_start3A_358 = tpu.memref_squeeze %dma_start3A_357 : memref<1x12800xf32, #tpu.memory_space<vmem>> -> memref<12800xf32, #tpu.memory_space<vmem>>
        %dma_start3A_359 = tpu.memref_slice %arg2[%mul3A_347] : memref<52428800xf32, #tpu.memory_space<hbm>> -> memref<12800xf32, #tpu.memory_space<hbm>>
        tpu.enqueue_dma source(%dma_start3A_359 : memref<12800xf32, #tpu.memory_space<hbm>>) target(%dma_start3A_358 : memref<12800xf32, #tpu.memory_space<vmem>>) target_semaphore(%dma_start3A_355 : memref<!tpu.dma_semaphore, #tpu.memory_space<semaphore_mem>>)
      } else {
      }
      %add3A_292 = arith.constant 3 : i32
      %add3A_293 = arith.addi %add3A_145, %add3A_292 : i32
      %mul3A_294 = arith.constant 12800 : i32
      %mul3A_295 = arith.muli %add3A_293, %mul3A_294 : i32
      %dma_wait3A_296 = arith.constant 3 : i32
      %dma_wait3A_297 = arith.constant 3 : i32
      %dma_wait3A_298 = arith.constant 0 : i32
      %dma_wait3A_299 = tpu.memref_slice %arg5[%dma_wait3A_296, %dma_wait3A_298] : memref<4x12800xf32, #tpu.memory_space<vmem>> -> memref<1x12800xf32, #tpu.memory_space<vmem>>
      %dma_wait3A_300 = tpu.memref_squeeze %dma_wait3A_299 : memref<1x12800xf32, #tpu.memory_space<vmem>> -> memref<12800xf32, #tpu.memory_space<vmem>>
      %dma_wait3A_301 = tpu.memref_slice %arg2[%mul3A_295] : memref<52428800xf32, #tpu.memory_space<hbm>> -> memref<12800xf32, #tpu.memory_space<hbm>>
      %dma_wait3A_302 = tpu.memref_slice %arg8[%dma_wait3A_297] : memref<4x!tpu.dma_semaphore, #tpu.memory_space<semaphore_mem>> -> memref<1x!tpu.dma_semaphore, #tpu.memory_space<semaphore_mem>>
      %dma_wait3A_303 = tpu.memref_squeeze %dma_wait3A_302 : memref<1x!tpu.dma_semaphore, #tpu.memory_space<semaphore_mem>> -> memref<!tpu.dma_semaphore, #tpu.memory_space<semaphore_mem>>
      %dma_wait3A_304 = arith.constant 0 : i32
      %dma_wait3A_305 = tpu.memref_slice %arg5[%dma_wait3A_296, %dma_wait3A_304] : memref<4x12800xf32, #tpu.memory_space<vmem>> -> memref<1x12800xf32, #tpu.memory_space<vmem>>
      %dma_wait3A_306 = tpu.memref_squeeze %dma_wait3A_305 : memref<1x12800xf32, #tpu.memory_space<vmem>> -> memref<12800xf32, #tpu.memory_space<vmem>>
      %dma_wait3A_307 = tpu.memref_slice %arg2[%mul3A_295] : memref<52428800xf32, #tpu.memory_space<hbm>> -> memref<12800xf32, #tpu.memory_space<hbm>>
      tpu.wait_dma2 semaphore(%dma_wait3A_303 : memref<!tpu.dma_semaphore, #tpu.memory_space<semaphore_mem>>) src(%dma_wait3A_307 : memref<12800xf32, #tpu.memory_space<hbm>>) dst(%dma_wait3A_306 : memref<12800xf32, #tpu.memory_space<vmem>>)
      %gt3A_308 = arith.constant 0 : i32
      %gt3A_309 = arith.cmpi sgt, %scan3A_142, %gt3A_308 : i32
      %convert_element_type3A_310 = arith.extui %gt3A_309 : i1 to i32
      %cond3A_311 = arith.constant 0 : i32
      %cond3A_312 = arith.cmpi ne, %convert_element_type3A_310, %cond3A_311 : i32
      scf.if %cond3A_312 {
        %sub3A = arith.constant 4 : i32
        %sub3A_342 = arith.subi %add3A_145, %sub3A : i32
        %add3A_343 = arith.constant 3 : i32
        %add3A_344 = arith.addi %sub3A_342, %add3A_343 : i32
        %mul3A_345 = arith.constant 12800 : i32
        %mul3A_346 = arith.muli %add3A_344, %mul3A_345 : i32
        %dma_wait3A_347 = arith.constant 3 : i32
        %dma_wait3A_348 = arith.constant 3 : i32
        %dma_wait3A_349 = arith.constant 0 : i32
        %dma_wait3A_350 = tpu.memref_slice %arg6[%dma_wait3A_347, %dma_wait3A_349] : memref<4x12800xf32, #tpu.memory_space<vmem>> -> memref<1x12800xf32, #tpu.memory_space<vmem>>
        %dma_wait3A_351 = tpu.memref_squeeze %dma_wait3A_350 : memref<1x12800xf32, #tpu.memory_space<vmem>> -> memref<12800xf32, #tpu.memory_space<vmem>>
        %dma_wait3A_352 = tpu.memref_slice %arg4[%mul3A_346] : memref<52428800xf32, #tpu.memory_space<hbm>> -> memref<12800xf32, #tpu.memory_space<hbm>>
        %dma_wait3A_353 = tpu.memref_slice %arg9[%dma_wait3A_348] : memref<4x!tpu.dma_semaphore, #tpu.memory_space<semaphore_mem>> -> memref<1x!tpu.dma_semaphore, #tpu.memory_space<semaphore_mem>>
        %dma_wait3A_354 = tpu.memref_squeeze %dma_wait3A_353 : memref<1x!tpu.dma_semaphore, #tpu.memory_space<semaphore_mem>> -> memref<!tpu.dma_semaphore, #tpu.memory_space<semaphore_mem>>
        %dma_wait3A_355 = tpu.memref_slice %arg4[%mul3A_346] : memref<52428800xf32, #tpu.memory_space<hbm>> -> memref<12800xf32, #tpu.memory_space<hbm>>
        %dma_wait3A_356 = arith.constant 0 : i32
        %dma_wait3A_357 = tpu.memref_slice %arg6[%dma_wait3A_347, %dma_wait3A_356] : memref<4x12800xf32, #tpu.memory_space<vmem>> -> memref<1x12800xf32, #tpu.memory_space<vmem>>
        %dma_wait3A_358 = tpu.memref_squeeze %dma_wait3A_357 : memref<1x12800xf32, #tpu.memory_space<vmem>> -> memref<12800xf32, #tpu.memory_space<vmem>>
        tpu.wait_dma2 semaphore(%dma_wait3A_354 : memref<!tpu.dma_semaphore, #tpu.memory_space<semaphore_mem>>) src(%dma_wait3A_358 : memref<12800xf32, #tpu.memory_space<vmem>>) dst(%dma_wait3A_355 : memref<12800xf32, #tpu.memory_space<hbm>>)
      } else {
      }
      %scan3A_313 = arith.constant 0 : i32
      %scan3A_314 = arith.constant 3 : i32
      %scan3A_315 = arith.constant 3 : i32
      %scan3A_316 = arith.constant 0 : i32
      %scan3A_317 = arith.constant 100 : i32
      %scan3A_318 = arith.addi %scan3A_316, %scan3A_317 : i32
      %scan3A_319 = arith.constant 1 : i32
      scf.for %scan3A_342 = %scan3A_316 to %scan3A_318 step %scan3A_319  : i32 {
        %mul3A_343 = arith.constant 8 : i32
        %mul3A_344 = arith.muli %scan3A_342, %mul3A_343 : i32
        %add3A_345 = arith.constant 0 : i32
        %add3A_346 = arith.addi %mul3A_344, %add3A_345 : i32
        %mul3A_347 = arith.constant 16 : i32
        %mul3A_348 = arith.muli %add3A_346, %mul3A_347 : i32
        %get3A = arith.constant 0 : i32
        %get3A_349 = tpu.memref_slice %arg5[%scan3A_314, %get3A] : memref<4x12800xf32, #tpu.memory_space<vmem>> -> memref<1x12800xf32, #tpu.memory_space<vmem>>
        %get3A_350 = tpu.memref_squeeze %get3A_349 : memref<1x12800xf32, #tpu.memory_space<vmem>> -> memref<12800xf32, #tpu.memory_space<vmem>>
        %get3A_351 = arith.index_cast %mul3A_348 : i32 to index
        %get3A_352 = tpu.vector_load %get3A_350[%get3A_351] {strides = array<i32>} : memref<12800xf32, #tpu.memory_space<vmem>>, vector<16xf32>,
        %get3A_353 = vector.shape_cast %get3A_352 : vector<16xf32> to vector<16xf32>
        %get3A_354 = arith.index_cast %mul3A_348 : i32 to index
        %get3A_355 = tpu.vector_load %arg7[%get3A_354] {strides = array<i32>} : memref<12800xf32, #tpu.memory_space<vmem>>, vector<16xf32>,
        %get3A_356 = vector.shape_cast %get3A_355 : vector<16xf32> to vector<16xf32>
        %add3A_357 = arith.addf %get3A_353, %get3A_356 : vector<16xf32>
        %swap3A = arith.constant 0 : i32
        %swap3A_358 = tpu.memref_slice %arg6[%scan3A_315, %swap3A] : memref<4x12800xf32, #tpu.memory_space<vmem>> -> memref<1x12800xf32, #tpu.memory_space<vmem>>
        %swap3A_359 = tpu.memref_squeeze %swap3A_358 : memref<1x12800xf32, #tpu.memory_space<vmem>> -> memref<12800xf32, #tpu.memory_space<vmem>>
        %swap3A_360 = arith.index_cast %mul3A_348 : i32 to index
        %swap3A_361 = tpu.vector_load %swap3A_359[%swap3A_360] {strides = array<i32>} : memref<12800xf32, #tpu.memory_space<vmem>>, vector<16xf32>,
        %swap3A_362 = vector.shape_cast %swap3A_361 : vector<16xf32> to vector<16xf32>
        %swap3A_363 = vector.shape_cast %add3A_357 : vector<16xf32> to vector<16xf32>
        tpu.vector_store %swap3A_359[%swap3A_360], %swap3A_363 {strides = array<i32>} : memref<12800xf32, #tpu.memory_space<vmem>>, vector<16xf32>,
        %mul3A_364 = arith.constant 8 : i32
        %mul3A_365 = arith.muli %scan3A_342, %mul3A_364 : i32
        %add3A_366 = arith.constant 1 : i32
        %add3A_367 = arith.addi %mul3A_365, %add3A_366 : i32
        %mul3A_368 = arith.constant 16 : i32
        %mul3A_369 = arith.muli %add3A_367, %mul3A_368 : i32
        %get3A_370 = arith.constant 0 : i32
        %get3A_371 = tpu.memref_slice %arg5[%scan3A_314, %get3A_370] : memref<4x12800xf32, #tpu.memory_space<vmem>> -> memref<1x12800xf32, #tpu.memory_space<vmem>>
        %get3A_372 = tpu.memref_squeeze %get3A_371 : memref<1x12800xf32, #tpu.memory_space<vmem>> -> memref<12800xf32, #tpu.memory_space<vmem>>
        %get3A_373 = arith.index_cast %mul3A_369 : i32 to index
        %get3A_374 = tpu.vector_load %get3A_372[%get3A_373] {strides = array<i32>} : memref<12800xf32, #tpu.memory_space<vmem>>, vector<16xf32>,
        %get3A_375 = vector.shape_cast %get3A_374 : vector<16xf32> to vector<16xf32>
        %get3A_376 = arith.index_cast %mul3A_369 : i32 to index
        %get3A_377 = tpu.vector_load %arg7[%get3A_376] {strides = array<i32>} : memref<12800xf32, #tpu.memory_space<vmem>>, vector<16xf32>,
        %get3A_378 = vector.shape_cast %get3A_377 : vector<16xf32> to vector<16xf32>
        %add3A_379 = arith.addf %get3A_375, %get3A_378 : vector<16xf32>
        %swap3A_380 = arith.constant 0 : i32
        %swap3A_381 = tpu.memref_slice %arg6[%scan3A_315, %swap3A_380] : memref<4x12800xf32, #tpu.memory_space<vmem>> -> memref<1x12800xf32, #tpu.memory_space<vmem>>
        %swap3A_382 = tpu.memref_squeeze %swap3A_381 : memref<1x12800xf32, #tpu.memory_space<vmem>> -> memref<12800xf32, #tpu.memory_space<vmem>>
        %swap3A_383 = arith.index_cast %mul3A_369 : i32 to index
        %swap3A_384 = tpu.vector_load %swap3A_382[%swap3A_383] {strides = array<i32>} : memref<12800xf32, #tpu.memory_space<vmem>>, vector<16xf32>,
        %swap3A_385 = vector.shape_cast %swap3A_384 : vector<16xf32> to vector<16xf32>
        %swap3A_386 = vector.shape_cast %add3A_379 : vector<16xf32> to vector<16xf32>
        tpu.vector_store %swap3A_382[%swap3A_383], %swap3A_386 {strides = array<i32>} : memref<12800xf32, #tpu.memory_space<vmem>>, vector<16xf32>,
        %mul3A_387 = arith.constant 8 : i32
        %mul3A_388 = arith.muli %scan3A_342, %mul3A_387 : i32
        %add3A_389 = arith.constant 2 : i32
        %add3A_390 = arith.addi %mul3A_388, %add3A_389 : i32
        %mul3A_391 = arith.constant 16 : i32
        %mul3A_392 = arith.muli %add3A_390, %mul3A_391 : i32
        %get3A_393 = arith.constant 0 : i32
        %get3A_394 = tpu.memref_slice %arg5[%scan3A_314, %get3A_393] : memref<4x12800xf32, #tpu.memory_space<vmem>> -> memref<1x12800xf32, #tpu.memory_space<vmem>>
        %get3A_395 = tpu.memref_squeeze %get3A_394 : memref<1x12800xf32, #tpu.memory_space<vmem>> -> memref<12800xf32, #tpu.memory_space<vmem>>
        %get3A_396 = arith.index_cast %mul3A_392 : i32 to index
        %get3A_397 = tpu.vector_load %get3A_395[%get3A_396] {strides = array<i32>} : memref<12800xf32, #tpu.memory_space<vmem>>, vector<16xf32>,
        %get3A_398 = vector.shape_cast %get3A_397 : vector<16xf32> to vector<16xf32>
        %get3A_399 = arith.index_cast %mul3A_392 : i32 to index
        %get3A_400 = tpu.vector_load %arg7[%get3A_399] {strides = array<i32>} : memref<12800xf32, #tpu.memory_space<vmem>>, vector<16xf32>,
        %get3A_401 = vector.shape_cast %get3A_400 : vector<16xf32> to vector<16xf32>
        %add3A_402 = arith.addf %get3A_398, %get3A_401 : vector<16xf32>
        %swap3A_403 = arith.constant 0 : i32
        %swap3A_404 = tpu.memref_slice %arg6[%scan3A_315, %swap3A_403] : memref<4x12800xf32, #tpu.memory_space<vmem>> -> memref<1x12800xf32, #tpu.memory_space<vmem>>
        %swap3A_405 = tpu.memref_squeeze %swap3A_404 : memref<1x12800xf32, #tpu.memory_space<vmem>> -> memref<12800xf32, #tpu.memory_space<vmem>>
        %swap3A_406 = arith.index_cast %mul3A_392 : i32 to index
        %swap3A_407 = tpu.vector_load %swap3A_405[%swap3A_406] {strides = array<i32>} : memref<12800xf32, #tpu.memory_space<vmem>>, vector<16xf32>,
        %swap3A_408 = vector.shape_cast %swap3A_407 : vector<16xf32> to vector<16xf32>
        %swap3A_409 = vector.shape_cast %add3A_402 : vector<16xf32> to vector<16xf32>
        tpu.vector_store %swap3A_405[%swap3A_406], %swap3A_409 {strides = array<i32>} : memref<12800xf32, #tpu.memory_space<vmem>>, vector<16xf32>,
        %mul3A_410 = arith.constant 8 : i32
        %mul3A_411 = arith.muli %scan3A_342, %mul3A_410 : i32
        %add3A_412 = arith.constant 3 : i32
        %add3A_413 = arith.addi %mul3A_411, %add3A_412 : i32
        %mul3A_414 = arith.constant 16 : i32
        %mul3A_415 = arith.muli %add3A_413, %mul3A_414 : i32
        %get3A_416 = arith.constant 0 : i32
        %get3A_417 = tpu.memref_slice %arg5[%scan3A_314, %get3A_416] : memref<4x12800xf32, #tpu.memory_space<vmem>> -> memref<1x12800xf32, #tpu.memory_space<vmem>>
        %get3A_418 = tpu.memref_squeeze %get3A_417 : memref<1x12800xf32, #tpu.memory_space<vmem>> -> memref<12800xf32, #tpu.memory_space<vmem>>
        %get3A_419 = arith.index_cast %mul3A_415 : i32 to index
        %get3A_420 = tpu.vector_load %get3A_418[%get3A_419] {strides = array<i32>} : memref<12800xf32, #tpu.memory_space<vmem>>, vector<16xf32>,
        %get3A_421 = vector.shape_cast %get3A_420 : vector<16xf32> to vector<16xf32>
        %get3A_422 = arith.index_cast %mul3A_415 : i32 to index
        %get3A_423 = tpu.vector_load %arg7[%get3A_422] {strides = array<i32>} : memref<12800xf32, #tpu.memory_space<vmem>>, vector<16xf32>,
        %get3A_424 = vector.shape_cast %get3A_423 : vector<16xf32> to vector<16xf32>
        %add3A_425 = arith.addf %get3A_421, %get3A_424 : vector<16xf32>
        %swap3A_426 = arith.constant 0 : i32
        %swap3A_427 = tpu.memref_slice %arg6[%scan3A_315, %swap3A_426] : memref<4x12800xf32, #tpu.memory_space<vmem>> -> memref<1x12800xf32, #tpu.memory_space<vmem>>
        %swap3A_428 = tpu.memref_squeeze %swap3A_427 : memref<1x12800xf32, #tpu.memory_space<vmem>> -> memref<12800xf32, #tpu.memory_space<vmem>>
        %swap3A_429 = arith.index_cast %mul3A_415 : i32 to index
        %swap3A_430 = tpu.vector_load %swap3A_428[%swap3A_429] {strides = array<i32>} : memref<12800xf32, #tpu.memory_space<vmem>>, vector<16xf32>,
        %swap3A_431 = vector.shape_cast %swap3A_430 : vector<16xf32> to vector<16xf32>
        %swap3A_432 = vector.shape_cast %add3A_425 : vector<16xf32> to vector<16xf32>
        tpu.vector_store %swap3A_428[%swap3A_429], %swap3A_432 {strides = array<i32>} : memref<12800xf32, #tpu.memory_space<vmem>>, vector<16xf32>,
        %mul3A_433 = arith.constant 8 : i32
        %mul3A_434 = arith.muli %scan3A_342, %mul3A_433 : i32
        %add3A_435 = arith.constant 4 : i32
        %add3A_436 = arith.addi %mul3A_434, %add3A_435 : i32
        %mul3A_437 = arith.constant 16 : i32
        %mul3A_438 = arith.muli %add3A_436, %mul3A_437 : i32
        %get3A_439 = arith.constant 0 : i32
        %get3A_440 = tpu.memref_slice %arg5[%scan3A_314, %get3A_439] : memref<4x12800xf32, #tpu.memory_space<vmem>> -> memref<1x12800xf32, #tpu.memory_space<vmem>>
        %get3A_441 = tpu.memref_squeeze %get3A_440 : memref<1x12800xf32, #tpu.memory_space<vmem>> -> memref<12800xf32, #tpu.memory_space<vmem>>
        %get3A_442 = arith.index_cast %mul3A_438 : i32 to index
        %get3A_443 = tpu.vector_load %get3A_441[%get3A_442] {strides = array<i32>} : memref<12800xf32, #tpu.memory_space<vmem>>, vector<16xf32>,
        %get3A_444 = vector.shape_cast %get3A_443 : vector<16xf32> to vector<16xf32>
        %get3A_445 = arith.index_cast %mul3A_438 : i32 to index
        %get3A_446 = tpu.vector_load %arg7[%get3A_445] {strides = array<i32>} : memref<12800xf32, #tpu.memory_space<vmem>>, vector<16xf32>,
        %get3A_447 = vector.shape_cast %get3A_446 : vector<16xf32> to vector<16xf32>
        %add3A_448 = arith.addf %get3A_444, %get3A_447 : vector<16xf32>
        %swap3A_449 = arith.constant 0 : i32
        %swap3A_450 = tpu.memref_slice %arg6[%scan3A_315, %swap3A_449] : memref<4x12800xf32, #tpu.memory_space<vmem>> -> memref<1x12800xf32, #tpu.memory_space<vmem>>
        %swap3A_451 = tpu.memref_squeeze %swap3A_450 : memref<1x12800xf32, #tpu.memory_space<vmem>> -> memref<12800xf32, #tpu.memory_space<vmem>>
        %swap3A_452 = arith.index_cast %mul3A_438 : i32 to index
        %swap3A_453 = tpu.vector_load %swap3A_451[%swap3A_452] {strides = array<i32>} : memref<12800xf32, #tpu.memory_space<vmem>>, vector<16xf32>,
        %swap3A_454 = vector.shape_cast %swap3A_453 : vector<16xf32> to vector<16xf32>
        %swap3A_455 = vector.shape_cast %add3A_448 : vector<16xf32> to vector<16xf32>
        tpu.vector_store %swap3A_451[%swap3A_452], %swap3A_455 {strides = array<i32>} : memref<12800xf32, #tpu.memory_space<vmem>>, vector<16xf32>,
        %mul3A_456 = arith.constant 8 : i32
        %mul3A_457 = arith.muli %scan3A_342, %mul3A_456 : i32
        %add3A_458 = arith.constant 5 : i32
        %add3A_459 = arith.addi %mul3A_457, %add3A_458 : i32
        %mul3A_460 = arith.constant 16 : i32
        %mul3A_461 = arith.muli %add3A_459, %mul3A_460 : i32
        %get3A_462 = arith.constant 0 : i32
        %get3A_463 = tpu.memref_slice %arg5[%scan3A_314, %get3A_462] : memref<4x12800xf32, #tpu.memory_space<vmem>> -> memref<1x12800xf32, #tpu.memory_space<vmem>>
        %get3A_464 = tpu.memref_squeeze %get3A_463 : memref<1x12800xf32, #tpu.memory_space<vmem>> -> memref<12800xf32, #tpu.memory_space<vmem>>
        %get3A_465 = arith.index_cast %mul3A_461 : i32 to index
        %get3A_466 = tpu.vector_load %get3A_464[%get3A_465] {strides = array<i32>} : memref<12800xf32, #tpu.memory_space<vmem>>, vector<16xf32>,
        %get3A_467 = vector.shape_cast %get3A_466 : vector<16xf32> to vector<16xf32>
        %get3A_468 = arith.index_cast %mul3A_461 : i32 to index
        %get3A_469 = tpu.vector_load %arg7[%get3A_468] {strides = array<i32>} : memref<12800xf32, #tpu.memory_space<vmem>>, vector<16xf32>,
        %get3A_470 = vector.shape_cast %get3A_469 : vector<16xf32> to vector<16xf32>
        %add3A_471 = arith.addf %get3A_467, %get3A_470 : vector<16xf32>
        %swap3A_472 = arith.constant 0 : i32
        %swap3A_473 = tpu.memref_slice %arg6[%scan3A_315, %swap3A_472] : memref<4x12800xf32, #tpu.memory_space<vmem>> -> memref<1x12800xf32, #tpu.memory_space<vmem>>
        %swap3A_474 = tpu.memref_squeeze %swap3A_473 : memref<1x12800xf32, #tpu.memory_space<vmem>> -> memref<12800xf32, #tpu.memory_space<vmem>>
        %swap3A_475 = arith.index_cast %mul3A_461 : i32 to index
        %swap3A_476 = tpu.vector_load %swap3A_474[%swap3A_475] {strides = array<i32>} : memref<12800xf32, #tpu.memory_space<vmem>>, vector<16xf32>,
        %swap3A_477 = vector.shape_cast %swap3A_476 : vector<16xf32> to vector<16xf32>
        %swap3A_478 = vector.shape_cast %add3A_471 : vector<16xf32> to vector<16xf32>
        tpu.vector_store %swap3A_474[%swap3A_475], %swap3A_478 {strides = array<i32>} : memref<12800xf32, #tpu.memory_space<vmem>>, vector<16xf32>,
        %mul3A_479 = arith.constant 8 : i32
        %mul3A_480 = arith.muli %scan3A_342, %mul3A_479 : i32
        %add3A_481 = arith.constant 6 : i32
        %add3A_482 = arith.addi %mul3A_480, %add3A_481 : i32
        %mul3A_483 = arith.constant 16 : i32
        %mul3A_484 = arith.muli %add3A_482, %mul3A_483 : i32
        %get3A_485 = arith.constant 0 : i32
        %get3A_486 = tpu.memref_slice %arg5[%scan3A_314, %get3A_485] : memref<4x12800xf32, #tpu.memory_space<vmem>> -> memref<1x12800xf32, #tpu.memory_space<vmem>>
        %get3A_487 = tpu.memref_squeeze %get3A_486 : memref<1x12800xf32, #tpu.memory_space<vmem>> -> memref<12800xf32, #tpu.memory_space<vmem>>
        %get3A_488 = arith.index_cast %mul3A_484 : i32 to index
        %get3A_489 = tpu.vector_load %get3A_487[%get3A_488] {strides = array<i32>} : memref<12800xf32, #tpu.memory_space<vmem>>, vector<16xf32>,
        %get3A_490 = vector.shape_cast %get3A_489 : vector<16xf32> to vector<16xf32>
        %get3A_491 = arith.index_cast %mul3A_484 : i32 to index
        %get3A_492 = tpu.vector_load %arg7[%get3A_491] {strides = array<i32>} : memref<12800xf32, #tpu.memory_space<vmem>>, vector<16xf32>,
        %get3A_493 = vector.shape_cast %get3A_492 : vector<16xf32> to vector<16xf32>
        %add3A_494 = arith.addf %get3A_490, %get3A_493 : vector<16xf32>
        %swap3A_495 = arith.constant 0 : i32
        %swap3A_496 = tpu.memref_slice %arg6[%scan3A_315, %swap3A_495] : memref<4x12800xf32, #tpu.memory_space<vmem>> -> memref<1x12800xf32, #tpu.memory_space<vmem>>
        %swap3A_497 = tpu.memref_squeeze %swap3A_496 : memref<1x12800xf32, #tpu.memory_space<vmem>> -> memref<12800xf32, #tpu.memory_space<vmem>>
        %swap3A_498 = arith.index_cast %mul3A_484 : i32 to index
        %swap3A_499 = tpu.vector_load %swap3A_497[%swap3A_498] {strides = array<i32>} : memref<12800xf32, #tpu.memory_space<vmem>>, vector<16xf32>,
        %swap3A_500 = vector.shape_cast %swap3A_499 : vector<16xf32> to vector<16xf32>
        %swap3A_501 = vector.shape_cast %add3A_494 : vector<16xf32> to vector<16xf32>
        tpu.vector_store %swap3A_497[%swap3A_498], %swap3A_501 {strides = array<i32>} : memref<12800xf32, #tpu.memory_space<vmem>>, vector<16xf32>,
        %mul3A_502 = arith.constant 8 : i32
        %mul3A_503 = arith.muli %scan3A_342, %mul3A_502 : i32
        %add3A_504 = arith.constant 7 : i32
        %add3A_505 = arith.addi %mul3A_503, %add3A_504 : i32
        %mul3A_506 = arith.constant 16 : i32
        %mul3A_507 = arith.muli %add3A_505, %mul3A_506 : i32
        %get3A_508 = arith.constant 0 : i32
        %get3A_509 = tpu.memref_slice %arg5[%scan3A_314, %get3A_508] : memref<4x12800xf32, #tpu.memory_space<vmem>> -> memref<1x12800xf32, #tpu.memory_space<vmem>>
        %get3A_510 = tpu.memref_squeeze %get3A_509 : memref<1x12800xf32, #tpu.memory_space<vmem>> -> memref<12800xf32, #tpu.memory_space<vmem>>
        %get3A_511 = arith.index_cast %mul3A_507 : i32 to index
        %get3A_512 = tpu.vector_load %get3A_510[%get3A_511] {strides = array<i32>} : memref<12800xf32, #tpu.memory_space<vmem>>, vector<16xf32>,
        %get3A_513 = vector.shape_cast %get3A_512 : vector<16xf32> to vector<16xf32>
        %get3A_514 = arith.index_cast %mul3A_507 : i32 to index
        %get3A_515 = tpu.vector_load %arg7[%get3A_514] {strides = array<i32>} : memref<12800xf32, #tpu.memory_space<vmem>>, vector<16xf32>,
        %get3A_516 = vector.shape_cast %get3A_515 : vector<16xf32> to vector<16xf32>
        %add3A_517 = arith.addf %get3A_513, %get3A_516 : vector<16xf32>
        %swap3A_518 = arith.constant 0 : i32
        %swap3A_519 = tpu.memref_slice %arg6[%scan3A_315, %swap3A_518] : memref<4x12800xf32, #tpu.memory_space<vmem>> -> memref<1x12800xf32, #tpu.memory_space<vmem>>
        %swap3A_520 = tpu.memref_squeeze %swap3A_519 : memref<1x12800xf32, #tpu.memory_space<vmem>> -> memref<12800xf32, #tpu.memory_space<vmem>>
        %swap3A_521 = arith.index_cast %mul3A_507 : i32 to index
        %swap3A_522 = tpu.vector_load %swap3A_520[%swap3A_521] {strides = array<i32>} : memref<12800xf32, #tpu.memory_space<vmem>>, vector<16xf32>,
        %swap3A_523 = vector.shape_cast %swap3A_522 : vector<16xf32> to vector<16xf32>
        %swap3A_524 = vector.shape_cast %add3A_517 : vector<16xf32> to vector<16xf32>
        tpu.vector_store %swap3A_520[%swap3A_521], %swap3A_524 {strides = array<i32>} : memref<12800xf32, #tpu.memory_space<vmem>>, vector<16xf32>,
      }
      %scan3A_320 = arith.constant 100 : i32
      %add3A_321 = arith.constant 3 : i32
      %add3A_322 = arith.addi %add3A_145, %add3A_321 : i32
      %mul3A_323 = arith.constant 12800 : i32
      %mul3A_324 = arith.muli %add3A_322, %mul3A_323 : i32
      %dma_start3A_325 = arith.constant 3 : i32
      %dma_start3A_326 = arith.constant 3 : i32
      %dma_start3A_327 = arith.constant 0 : i32
      %dma_start3A_328 = tpu.memref_slice %arg6[%dma_start3A_325, %dma_start3A_327] : memref<4x12800xf32, #tpu.memory_space<vmem>> -> memref<1x12800xf32, #tpu.memory_space<vmem>>
      %dma_start3A_329 = tpu.memref_squeeze %dma_start3A_328 : memref<1x12800xf32, #tpu.memory_space<vmem>> -> memref<12800xf32, #tpu.memory_space<vmem>>
      %dma_start3A_330 = tpu.memref_slice %arg4[%mul3A_324] : memref<52428800xf32, #tpu.memory_space<hbm>> -> memref<12800xf32, #tpu.memory_space<hbm>>
      %dma_start3A_331 = tpu.memref_slice %arg9[%dma_start3A_326] : memref<4x!tpu.dma_semaphore, #tpu.memory_space<semaphore_mem>> -> memref<1x!tpu.dma_semaphore, #tpu.memory_space<semaphore_mem>>
      %dma_start3A_332 = tpu.memref_squeeze %dma_start3A_331 : memref<1x!tpu.dma_semaphore, #tpu.memory_space<semaphore_mem>> -> memref<!tpu.dma_semaphore, #tpu.memory_space<semaphore_mem>>
      %dma_start3A_333 = tpu.memref_slice %arg4[%mul3A_324] : memref<52428800xf32, #tpu.memory_space<hbm>> -> memref<12800xf32, #tpu.memory_space<hbm>>
      %dma_start3A_334 = arith.constant 0 : i32
      %dma_start3A_335 = tpu.memref_slice %arg6[%dma_start3A_325, %dma_start3A_334] : memref<4x12800xf32, #tpu.memory_space<vmem>> -> memref<1x12800xf32, #tpu.memory_space<vmem>>
      %dma_start3A_336 = tpu.memref_squeeze %dma_start3A_335 : memref<1x12800xf32, #tpu.memory_space<vmem>> -> memref<12800xf32, #tpu.memory_space<vmem>>
      tpu.enqueue_dma source(%dma_start3A_336 : memref<12800xf32, #tpu.memory_space<vmem>>) target(%dma_start3A_333 : memref<12800xf32, #tpu.memory_space<hbm>>) target_semaphore(%dma_start3A_332 : memref<!tpu.dma_semaphore, #tpu.memory_space<semaphore_mem>>)
      %lt3A_337 = arith.constant 31 : i32
      %lt3A_338 = arith.cmpi slt, %scan3A_142, %lt3A_337 : i32
      %convert_element_type3A_339 = arith.extui %lt3A_338 : i1 to i32
      %cond3A_340 = arith.constant 0 : i32
      %cond3A_341 = arith.cmpi ne, %convert_element_type3A_339, %cond3A_340 : i32
      scf.if %cond3A_341 {
        %add3A_342 = arith.constant 4 : i32
        %add3A_343 = arith.addi %add3A_145, %add3A_342 : i32
        %add3A_344 = arith.constant 3 : i32
        %add3A_345 = arith.addi %add3A_343, %add3A_344 : i32
        %mul3A_346 = arith.constant 12800 : i32
        %mul3A_347 = arith.muli %add3A_345, %mul3A_346 : i32
        %dma_start3A_348 = arith.constant 3 : i32
        %dma_start3A_349 = arith.constant 3 : i32
        %dma_start3A_350 = arith.constant 0 : i32
        %dma_start3A_351 = tpu.memref_slice %arg5[%dma_start3A_348, %dma_start3A_350] : memref<4x12800xf32, #tpu.memory_space<vmem>> -> memref<1x12800xf32, #tpu.memory_space<vmem>>
        %dma_start3A_352 = tpu.memref_squeeze %dma_start3A_351 : memref<1x12800xf32, #tpu.memory_space<vmem>> -> memref<12800xf32, #tpu.memory_space<vmem>>
        %dma_start3A_353 = tpu.memref_slice %arg2[%mul3A_347] : memref<52428800xf32, #tpu.memory_space<hbm>> -> memref<12800xf32, #tpu.memory_space<hbm>>
        %dma_start3A_354 = tpu.memref_slice %arg8[%dma_start3A_349] : memref<4x!tpu.dma_semaphore, #tpu.memory_space<semaphore_mem>> -> memref<1x!tpu.dma_semaphore, #tpu.memory_space<semaphore_mem>>
        %dma_start3A_355 = tpu.memref_squeeze %dma_start3A_354 : memref<1x!tpu.dma_semaphore, #tpu.memory_space<semaphore_mem>> -> memref<!tpu.dma_semaphore, #tpu.memory_space<semaphore_mem>>
        %dma_start3A_356 = arith.constant 0 : i32
        %dma_start3A_357 = tpu.memref_slice %arg5[%dma_start3A_348, %dma_start3A_356] : memref<4x12800xf32, #tpu.memory_space<vmem>> -> memref<1x12800xf32, #tpu.memory_space<vmem>>
        %dma_start3A_358 = tpu.memref_squeeze %dma_start3A_357 : memref<1x12800xf32, #tpu.memory_space<vmem>> -> memref<12800xf32, #tpu.memory_space<vmem>>
        %dma_start3A_359 = tpu.memref_slice %arg2[%mul3A_347] : memref<52428800xf32, #tpu.memory_space<hbm>> -> memref<12800xf32, #tpu.memory_space<hbm>>
        tpu.enqueue_dma source(%dma_start3A_359 : memref<12800xf32, #tpu.memory_space<hbm>>) target(%dma_start3A_358 : memref<12800xf32, #tpu.memory_space<vmem>>) target_semaphore(%dma_start3A_355 : memref<!tpu.dma_semaphore, #tpu.memory_space<semaphore_mem>>)
      } else {
      }
    }
    %scan3A_70 = arith.constant 32 : i32
    %add3A_71 = arith.constant 124 : i32
    %add3A_72 = arith.addi %mul3A_2, %add3A_71 : i32
    %add3A_73 = arith.constant 0 : i32
    %add3A_74 = arith.addi %add3A_72, %add3A_73 : i32
    %mul3A_75 = arith.constant 12800 : i32
    %mul3A_76 = arith.muli %add3A_74, %mul3A_75 : i32
    %dma_wait3A = arith.constant 0 : i32
    %dma_wait3A_77 = arith.constant 0 : i32
    %dma_wait3A_78 = arith.constant 0 : i32
    %dma_wait3A_79 = tpu.memref_slice %arg6[%dma_wait3A, %dma_wait3A_78] : memref<4x12800xf32, #tpu.memory_space<vmem>> -> memref<1x12800xf32, #tpu.memory_space<vmem>>
    %dma_wait3A_80 = tpu.memref_squeeze %dma_wait3A_79 : memref<1x12800xf32, #tpu.memory_space<vmem>> -> memref<12800xf32, #tpu.memory_space<vmem>>
    %dma_wait3A_81 = tpu.memref_slice %arg4[%mul3A_76] : memref<52428800xf32, #tpu.memory_space<hbm>> -> memref<12800xf32, #tpu.memory_space<hbm>>
    %dma_wait3A_82 = tpu.memref_slice %arg9[%dma_wait3A_77] : memref<4x!tpu.dma_semaphore, #tpu.memory_space<semaphore_mem>> -> memref<1x!tpu.dma_semaphore, #tpu.memory_space<semaphore_mem>>
    %dma_wait3A_83 = tpu.memref_squeeze %dma_wait3A_82 : memref<1x!tpu.dma_semaphore, #tpu.memory_space<semaphore_mem>> -> memref<!tpu.dma_semaphore, #tpu.memory_space<semaphore_mem>>
    %dma_wait3A_84 = tpu.memref_slice %arg4[%mul3A_76] : memref<52428800xf32, #tpu.memory_space<hbm>> -> memref<12800xf32, #tpu.memory_space<hbm>>
    %dma_wait3A_85 = arith.constant 0 : i32
    %dma_wait3A_86 = tpu.memref_slice %arg6[%dma_wait3A, %dma_wait3A_85] : memref<4x12800xf32, #tpu.memory_space<vmem>> -> memref<1x12800xf32, #tpu.memory_space<vmem>>
    %dma_wait3A_87 = tpu.memref_squeeze %dma_wait3A_86 : memref<1x12800xf32, #tpu.memory_space<vmem>> -> memref<12800xf32, #tpu.memory_space<vmem>>
    tpu.wait_dma2 semaphore(%dma_wait3A_83 : memref<!tpu.dma_semaphore, #tpu.memory_space<semaphore_mem>>) src(%dma_wait3A_87 : memref<12800xf32, #tpu.memory_space<vmem>>) dst(%dma_wait3A_84 : memref<12800xf32, #tpu.memory_space<hbm>>)
    %add3A_88 = arith.constant 124 : i32
    %add3A_89 = arith.addi %mul3A_2, %add3A_88 : i32
    %add3A_90 = arith.constant 1 : i32
    %add3A_91 = arith.addi %add3A_89, %add3A_90 : i32
    %mul3A_92 = arith.constant 12800 : i32
    %mul3A_93 = arith.muli %add3A_91, %mul3A_92 : i32
    %dma_wait3A_94 = arith.constant 1 : i32
    %dma_wait3A_95 = arith.constant 1 : i32
    %dma_wait3A_96 = arith.constant 0 : i32
    %dma_wait3A_97 = tpu.memref_slice %arg6[%dma_wait3A_94, %dma_wait3A_96] : memref<4x12800xf32, #tpu.memory_space<vmem>> -> memref<1x12800xf32, #tpu.memory_space<vmem>>
    %dma_wait3A_98 = tpu.memref_squeeze %dma_wait3A_97 : memref<1x12800xf32, #tpu.memory_space<vmem>> -> memref<12800xf32, #tpu.memory_space<vmem>>
    %dma_wait3A_99 = tpu.memref_slice %arg4[%mul3A_93] : memref<52428800xf32, #tpu.memory_space<hbm>> -> memref<12800xf32, #tpu.memory_space<hbm>>
    %dma_wait3A_100 = tpu.memref_slice %arg9[%dma_wait3A_95] : memref<4x!tpu.dma_semaphore, #tpu.memory_space<semaphore_mem>> -> memref<1x!tpu.dma_semaphore, #tpu.memory_space<semaphore_mem>>
    %dma_wait3A_101 = tpu.memref_squeeze %dma_wait3A_100 : memref<1x!tpu.dma_semaphore, #tpu.memory_space<semaphore_mem>> -> memref<!tpu.dma_semaphore, #tpu.memory_space<semaphore_mem>>
    %dma_wait3A_102 = tpu.memref_slice %arg4[%mul3A_93] : memref<52428800xf32, #tpu.memory_space<hbm>> -> memref<12800xf32, #tpu.memory_space<hbm>>
    %dma_wait3A_103 = arith.constant 0 : i32
    %dma_wait3A_104 = tpu.memref_slice %arg6[%dma_wait3A_94, %dma_wait3A_103] : memref<4x12800xf32, #tpu.memory_space<vmem>> -> memref<1x12800xf32, #tpu.memory_space<vmem>>
    %dma_wait3A_105 = tpu.memref_squeeze %dma_wait3A_104 : memref<1x12800xf32, #tpu.memory_space<vmem>> -> memref<12800xf32, #tpu.memory_space<vmem>>
    tpu.wait_dma2 semaphore(%dma_wait3A_101 : memref<!tpu.dma_semaphore, #tpu.memory_space<semaphore_mem>>) src(%dma_wait3A_105 : memref<12800xf32, #tpu.memory_space<vmem>>) dst(%dma_wait3A_102 : memref<12800xf32, #tpu.memory_space<hbm>>)
    %add3A_106 = arith.constant 124 : i32
    %add3A_107 = arith.addi %mul3A_2, %add3A_106 : i32
    %add3A_108 = arith.constant 2 : i32
    %add3A_109 = arith.addi %add3A_107, %add3A_108 : i32
    %mul3A_110 = arith.constant 12800 : i32
    %mul3A_111 = arith.muli %add3A_109, %mul3A_110 : i32
    %dma_wait3A_112 = arith.constant 2 : i32
    %dma_wait3A_113 = arith.constant 2 : i32
    %dma_wait3A_114 = arith.constant 0 : i32
    %dma_wait3A_115 = tpu.memref_slice %arg6[%dma_wait3A_112, %dma_wait3A_114] : memref<4x12800xf32, #tpu.memory_space<vmem>> -> memref<1x12800xf32, #tpu.memory_space<vmem>>
    %dma_wait3A_116 = tpu.memref_squeeze %dma_wait3A_115 : memref<1x12800xf32, #tpu.memory_space<vmem>> -> memref<12800xf32, #tpu.memory_space<vmem>>
    %dma_wait3A_117 = tpu.memref_slice %arg4[%mul3A_111] : memref<52428800xf32, #tpu.memory_space<hbm>> -> memref<12800xf32, #tpu.memory_space<hbm>>
    %dma_wait3A_118 = tpu.memref_slice %arg9[%dma_wait3A_113] : memref<4x!tpu.dma_semaphore, #tpu.memory_space<semaphore_mem>> -> memref<1x!tpu.dma_semaphore, #tpu.memory_space<semaphore_mem>>
    %dma_wait3A_119 = tpu.memref_squeeze %dma_wait3A_118 : memref<1x!tpu.dma_semaphore, #tpu.memory_space<semaphore_mem>> -> memref<!tpu.dma_semaphore, #tpu.memory_space<semaphore_mem>>
    %dma_wait3A_120 = tpu.memref_slice %arg4[%mul3A_111] : memref<52428800xf32, #tpu.memory_space<hbm>> -> memref<12800xf32, #tpu.memory_space<hbm>>
    %dma_wait3A_121 = arith.constant 0 : i32
    %dma_wait3A_122 = tpu.memref_slice %arg6[%dma_wait3A_112, %dma_wait3A_121] : memref<4x12800xf32, #tpu.memory_space<vmem>> -> memref<1x12800xf32, #tpu.memory_space<vmem>>
    %dma_wait3A_123 = tpu.memref_squeeze %dma_wait3A_122 : memref<1x12800xf32, #tpu.memory_space<vmem>> -> memref<12800xf32, #tpu.memory_space<vmem>>
    tpu.wait_dma2 semaphore(%dma_wait3A_119 : memref<!tpu.dma_semaphore, #tpu.memory_space<semaphore_mem>>) src(%dma_wait3A_123 : memref<12800xf32, #tpu.memory_space<vmem>>) dst(%dma_wait3A_120 : memref<12800xf32, #tpu.memory_space<hbm>>)
    %add3A_124 = arith.constant 124 : i32
    %add3A_125 = arith.addi %mul3A_2, %add3A_124 : i32
    %add3A_126 = arith.constant 3 : i32
    %add3A_127 = arith.addi %add3A_125, %add3A_126 : i32
    %mul3A_128 = arith.constant 12800 : i32
    %mul3A_129 = arith.muli %add3A_127, %mul3A_128 : i32
    %dma_wait3A_130 = arith.constant 3 : i32
    %dma_wait3A_131 = arith.constant 3 : i32
    %dma_wait3A_132 = arith.constant 0 : i32
    %dma_wait3A_133 = tpu.memref_slice %arg6[%dma_wait3A_130, %dma_wait3A_132] : memref<4x12800xf32, #tpu.memory_space<vmem>> -> memref<1x12800xf32, #tpu.memory_space<vmem>>
    %dma_wait3A_134 = tpu.memref_squeeze %dma_wait3A_133 : memref<1x12800xf32, #tpu.memory_space<vmem>> -> memref<12800xf32, #tpu.memory_space<vmem>>
    %dma_wait3A_135 = tpu.memref_slice %arg4[%mul3A_129] : memref<52428800xf32, #tpu.memory_space<hbm>> -> memref<12800xf32, #tpu.memory_space<hbm>>
    %dma_wait3A_136 = tpu.memref_slice %arg9[%dma_wait3A_131] : memref<4x!tpu.dma_semaphore, #tpu.memory_space<semaphore_mem>> -> memref<1x!tpu.dma_semaphore, #tpu.memory_space<semaphore_mem>>
    %dma_wait3A_137 = tpu.memref_squeeze %dma_wait3A_136 : memref<1x!tpu.dma_semaphore, #tpu.memory_space<semaphore_mem>> -> memref<!tpu.dma_semaphore, #tpu.memory_space<semaphore_mem>>
    %dma_wait3A_138 = tpu.memref_slice %arg4[%mul3A_129] : memref<52428800xf32, #tpu.memory_space<hbm>> -> memref<12800xf32, #tpu.memory_space<hbm>>
    %dma_wait3A_139 = arith.constant 0 : i32
    %dma_wait3A_140 = tpu.memref_slice %arg6[%dma_wait3A_130, %dma_wait3A_139] : memref<4x12800xf32, #tpu.memory_space<vmem>> -> memref<1x12800xf32, #tpu.memory_space<vmem>>
    %dma_wait3A_141 = tpu.memref_squeeze %dma_wait3A_140 : memref<1x12800xf32, #tpu.memory_space<vmem>> -> memref<12800xf32, #tpu.memory_space<vmem>>
    tpu.wait_dma2 semaphore(%dma_wait3A_137 : memref<!tpu.dma_semaphore, #tpu.memory_space<semaphore_mem>>) src(%dma_wait3A_141 : memref<12800xf32, #tpu.memory_space<vmem>>) dst(%dma_wait3A_138 : memref<12800xf32, #tpu.memory_space<hbm>>)
    return
  }
}

</mosaic_0001>

<sc_bundles>
// kernel: kernel.3.cloned.1.call-start
scs
__scs_entry_jumppad:
0x0: {  	(pc) =	sbr.rel $0x88, $3  }
0x1: {  	(tag) =	ssettag $0x0;
	lr =	simm.s32 $0x1  }
0x2: {  	[smem:$0x3F9F] =	sst lr;
	_ =	strace $0xD0000000  }
0x3: {  	_ = 	snop  }
0x4: {  	_ = 	snop  }
0x5: {  	_ = 	snop  }
0x6: {  	_ = 	snop  }
0x7: {  	_ = 	snop  }
__scs_overlays_trampoline_lowered:
0x8: {  	[smem:$0x3FAE] =	sst s0  }
0x9: {  	[smem:$0x3FAF] =	sst s1  }
0xa: {  	[smem:$0x3FB0] =	sst s2  }
0xb: {  	[smem:$0x3FB1] =	sst s3  }
0xc: {  	[smem:$0x3FB2] =	sst s4  }
0xd: {  	[smem:$0x3FB3] =	sst s5  }
0xe: {  	[smem:$0x3FB4] =	sst s6  }
0xf: {  	[smem:$0x3FB5] =	sst s7  }
0x10: {  	[smem:$0x3FB6] =	sst s8  }
0x11: {  	[smem:$0x3FB7] =	sst s9;
	s0 =	simm.s32 @!p0 $0x0  }
0x12: {  	s1 =	sld [smem:$0x3F9D];
	s0 =	simm.s32 @p0 $0x1  }
0x13: {  	[smem:$0x3FB8] =	sst s0;
	s0 =	simm.s32 @!p1 $0x0  }
0x14: {  	s2 =	sld [smem:$0x3F9C];
	s0 =	simm.s32 @p1 $0x1  }
0x15: {  	[smem:$0x3FB9] =	sst s0;
	s0 =	simm.s32 @!p2 $0x0  }
0x16: {  	s3 =	sld [smem:$0x3FDB];
	s0 =	simm.s32 @p2 $0x1  }
0x17: {  	s4 =	simm.s32 $0x1BF5;
	[smem:$0x3FBB] =	sst s0  }
0x18: {  	s0 =	sld [smem:$0x3F9E];
	_ =	swait.ge [sflag:s4], $0x0  }
0x19: {  	s7 =	sld [smem:$0x3F9F]  }
0x1a: {  	s8 =	sadd.s32 $0xFFFFE003, lr  }
0x1b: {  	s9 =	sadd.s32 $0xFFFFFEF7, lr;
	s5 =	simm.s32 $0xFFFFFFFF;
	p2 =	slt.u32 s8, $0xFFFFF086  }
0x1c: {  	p1 =	slt.u32 s9, $0xF7A;
	s5 =	simm.s32 @!p2 $0x0  }
0x1d: {  	s5 =	simm.s32 @p1 $0x1;
	p0 =	seq.s32 s7, s2  }
0x1e: {  	s7 =	smul.u32 @!p0 $0xF7A, s2;
	p2 =	seq.s32 @!p0 s5, $0x0  }
0x1f: {  	s9 =	smul.u32 $0xF7A, s1;
	s8 =	simm.s32 @!p0 $0x1BF5;
	p2 =	por !p2, p0  }
0x20: {  	[sflag:s8] =	ssyncset.s32 @!p0 $0xFFFFF086;
	s6 =	sadd.s32 @!p0 s3, s7;
	s7 =	simm.s32 @!p0 $0x108  }
0x21: {  	s3 =	sadd.s32 s3, s9;
	s6 =	sadd.s32 @!p0 $0x88, s6;
	s7 =	simm.s32 @p2 $0x1082  }
0x22: {  	[simem:s7], [sflag:s8] =	dma.local @!p0 [hbm:s6], $0xF7A  }
0x23: {  	s9 =	sor.u32 $0xD0000000, s2;
	s6 =	simm.s32 $0x108;
	_ =	swait.ge @!p0 [sflag:s8], $0x0  }
0x24: {  	s3 =	sadd.s32 $0x88, s3;
	s6 =	simm.s32 @!p1 $0x1082;
	[sflag:s4] =	ssyncset.s32 $0xFFFFF086  }
0x25: {  	[simem:s6], [sflag:s4] =	dma.local [hbm:s3], $0xF7A  }
0x26: {  	[smem:$0x3F9F] =	sst s1;
	(tag) =	ssettag s2;
	_ =	strace s9  }
0x27: {  	s1 =	sld [smem:$0x3FAF]  }
0x28: {  	s2 =	sld [smem:$0x3FB0]  }
0x29: {  	s4 =	sld [smem:$0x3FB2]  }
0x2a: {  	p0 =	seq.s32 s5, $0x0;
	s5 =	sld [smem:$0x3FB3]  }
0x2b: {  	s6 =	sld [smem:$0x3FB4]  }
0x2c: {  	s7 =	sld [smem:$0x3FB5]  }
0x2d: {  	s3 =	simm.s32 $0x108;
	s8 =	sld [smem:$0x3FB6]  }
0x2e: {  	s3 =	simm.s32 @!p0 $0x1082;
	s9 =	sld [smem:$0x3FB7]  }
0x2f: {  	lr =	sadd.s32 s0, s3;
	s0 =	sld [smem:$0x3FAE]  }
0x30: {  	s3 =	sld [smem:$0x3FB1]  }
0x31: {  	[smem:$0x3FBA] =	sst s10  }
0x32: {  	s10 =	sld [smem:$0x3FB8];
	_ =	sdelay $0x3  }
0x33: {  	p0 =	seq.s32 s10, $0x1;
	s10 =	sld [smem:$0x3FBA];
	_ =	sdelay $0x3  }
0x34: {  	[smem:$0x3FBA] =	sst s10  }
0x35: {  	s10 =	sld [smem:$0x3FB9];
	_ =	sdelay $0x3  }
0x36: {  	p1 =	seq.s32 s10, $0x1;
	s10 =	sld [smem:$0x3FBA];
	_ =	sdelay $0x3  }
0x37: {  	[smem:$0x3FBA] =	sst s10  }
0x38: {  	s10 =	sld [smem:$0x3FBB]  }
0x39: {  	_ = 	snop;
	(pc) =	sbr.ind lr, $3  }
0x3a: {  	_ = 	snop  }
0x3b: {  	_ = 	snop  }
0x3c: {  	p2 =	seq.s32 s10, $0x1;
	s10 =	sld [smem:$0x3FBA]  }
0x3d: {  	_ =	shalt  }
0x3e: {  	_ =	shalt  }
0x3f: {  	_ =	shalt  }
0x40: {  	_ =	shalt  }
0x41: {  	_ =	shalt  }
0x42: {  	_ =	shalt  }
0x43: {  	_ =	shalt  }
0x44: {  	_ =	shalt  }
0x45: {  	_ =	shalt  }
0x46: {  	_ =	shalt  }
0x47: {  	_ =	shalt  }
0x48: {  	_ =	shalt  }
0x49: {  	_ =	shalt  }
0x4a: {  	_ =	shalt  }
0x4b: {  	_ =	shalt  }
0x4c: {  	_ =	shalt  }
0x4d: {  	_ =	shalt  }
0x4e: {  	_ =	shalt  }
0x4f: {  	_ =	shalt  }
0x50: {  	_ =	shalt  }
0x51: {  	_ =	shalt  }
0x52: {  	_ =	shalt  }
0x53: {  	_ =	shalt  }
0x54: {  	_ =	shalt  }
0x55: {  	_ =	shalt  }
0x56: {  	_ =	shalt  }
0x57: {  	_ =	shalt  }
0x58: {  	_ =	shalt  }
0x59: {  	_ =	shalt  }
0x5a: {  	_ =	shalt  }
0x5b: {  	_ =	shalt  }
0x5c: {  	_ =	shalt  }
0x5d: {  	_ =	shalt  }
0x5e: {  	_ =	shalt  }
0x5f: {  	_ =	shalt  }
0x60: {  	_ =	shalt  }
0x61: {  	_ =	shalt  }
0x62: {  	_ =	shalt  }
0x63: {  	_ =	shalt  }
0x64: {  	_ =	shalt  }
0x65: {  	_ =	shalt  }
0x66: {  	_ =	shalt  }
0x67: {  	_ =	shalt  }
0x68: {  	_ =	shalt  }
0x69: {  	_ =	shalt  }
0x6a: {  	_ =	shalt  }
0x6b: {  	_ =	shalt  }
0x6c: {  	_ =	shalt  }
0x6d: {  	_ =	shalt  }
0x6e: {  	_ =	shalt  }
0x6f: {  	_ =	shalt  }
0x70: {  	_ =	shalt  }
0x71: {  	_ =	shalt  }
0x72: {  	_ =	shalt  }
0x73: {  	_ =	shalt  }
0x74: {  	_ =	shalt  }
0x75: {  	_ =	shalt  }
0x76: {  	_ =	shalt  }
0x77: {  	_ =	shalt  }
0x78: {  	_ =	shalt  }
0x79: {  	_ =	shalt  }
0x7a: {  	_ =	shalt  }
0x7b: {  	_ =	shalt  }
0x7c: {  	_ =	shalt  }
0x7d: {  	_ =	shalt  }
0x7e: {  	_ =	shalt  }
0x7f: {  	_ =	shalt  }
0x80: {  	_ =	shalt  }
0x81: {  	_ =	shalt  }
0x82: {  	_ =	shalt  }
0x83: {  	_ =	shalt  }
0x84: {  	_ =	shalt  }
0x85: {  	_ =	shalt  }
0x86: {  	_ =	shalt  }
0x87: {  	_ =	shalt  }
.Lfunc_end0:
.L_simem_size_0:
called_computation.1_lowered:
.L_overlay_start_0:
0x88: {  	s2 =	sld [smem:$0x3FD9]  }
0x89: {  	s3 =	sld [smem:$0x3FFE];
	_ =	sdelay $0x1  }
0x8a: {  	s1 =	srdreg.scid  }
0x8b: {  	s0 =	sand.u32 $0x1, s1  }
0x8c: {  	s17 =	sshll.u32 s0, $0xA;
	s2 =	sadd.s32 s3, s2  }
0x8d: {  	s2 =	sadd.s32 s2, s17  }
0x8e: {  	[smem:$0x3FC6] =	sst s2  }
0x8f: {  	_ = 	snop  }
0x90: {  	s2 =	sld [smem:$0x3FD0];
	(tm) =	ssettm $0x1  }
0x91: {  	s18 =	sld [smem:$0x3FFB];
	_ =	sdelay $0x3  }
0x92: {  	_ =	strace s18  }
0x93: {  	s3 =	sld [smem:$0x3FFC];
	_ =	sdelay $0x3  }
0x94: {  	_ =	strace s3  }
0x95: {  	s3 =	sld [smem:$0x3FFD];
	_ =	sdelay $0x3  }
0x96: {  	_ =	strace s3  }
0x97: {  	_ =	strace $0x8FFFFFFF  }
0x98: {  	s19 =	sld [smem:$0x3FDB];
	_ =	sdelay $0x1  }
0x99: {  	s4 =	simm.s32 $_scs_section_size  }
0x9a: {  	s5 =	simm.s32 $_size__tile_overlayer_lowered;
	s6 =	simm.s32 $_tile_overlayer_lowered  }
0x9b: {  	s22 =	simm.s32 $0x1BFF;
	s21 =	sshll.u32 s6, $0x1;
	s3 =	sadd.s32 s4, s19  }
0x9c: {  	s7 =	simm.s32 $0x0;
	s20 =	sshll.u32 s5, $0x1;
	s5 =	sadd.s32 s21, s3  }
0x9d: {  	[timem:s7], [sflag:s22] =	dma.local [hbm:s5], s20  }
0x9e: {  	_ =	swait.ge [sflag:s22], s20  }
0x9f: {  	s4 =	ssub.s32 $0x0, s20;
	[sflag:s22] =	ssyncset.done $0x0  }
0xa0: {  	[sflag:s22] =	ssyncadd.s32 s4;
	_ =	sdelay $0x1  }
0xa1: {  	s23 =	simm.s32 $0x1B8B  }
0xa2: {  	_ =	swait.ge [sflag:s23], $0x1  }
0xa3: {  	[sflag:s23] =	ssyncset.done $0x0  }
0xa4: {  	s25 =	simm.s32 $0x1B8E;
	s24 =	sld [smem:$0x3FFE];
	[sflag:s23] =	ssyncadd.s32 $0xFFFFFFFF  }
0xa5: {  	s26 =	simm.s32 $execute0_lowered;
	[smem:$0x3FD2] =	sst s25  }
0xa6: {  	s5 =	sshll.u32 s26, $0x1;
	_ =	strace $0x80000046;
	[dreg:$0x1] =	wrdreg $0xFFFFFFFF  }
0xa7: {  	s28 =	simm.s32 $_size_execute0_lowered;
	s3 =	sadd.s32 s3, s5;
	[dreg:$0x0] =	wrdreg $0x0  }
0xa8: {  	s5 =	sshll.u32 s28, $0x1;
	[dreg:$0x2] =	wrdreg s3  }
0xa9: {  	[dreg:$0x3] =	wrdreg s5  }
0xaa: {  	[dreg:$0x4] =	wrdreg $0xC0  }
0xab: {  	_ =	task [dreg:s7], $0x5FFFF  }
0xac: {  	[dreg:$0x1] =	wrdreg $0xFFFFFFFF  }
0xad: {  	[dreg:$0x0] =	wrdreg $0x60  }
0xae: {  	[dreg:$0x2] =	wrdreg s2  }
0xaf: {  	[dreg:$0x3] =	wrdreg s24  }
0xb0: {  	[dreg:$0x4] =	wrdreg $0x9  }
0xb1: {  	_ =	task.clear_ibuf [dreg:s7], $0x5FFFF;
	_ =	strace $0x90000046  }
0xb2: {  	s29 =	simm.s32 $0x9;
	_ =	strace $0x80000048  }
0xb3: {  	_ =	swait.ge [sflag:s29], $0x1  }
0xb4: {  	[sflag:s29] =	ssyncadd.s32 $0xFFFFFFFF  }
0xb5: {  	_ =	strace $0x90000048  }
0xb6: {  	_ =	sfence  }
0xb7: {  	s30 =	sld [smem:$0x0];
	_ =	sdelay $0x2  }
0xb8: {  	s31 =	sshll.u32 s1, $0xD;
	s1 =	sshrl.u32 s1, $0x2  }
0xb9: {  	s3 =	sand.u32 $0x4000, s31;
	s1 =	sadd.s32 s1, s30  }
0xba: {  	s0 =	sor.u32 s3, s0;
	s1 =	sshll.u32 s1, $0x11  }
0xbb: {  	s0 =	sor.u32 s1, s0  }
0xbc: {  	s0 =	sadd.s32 $0x8F2B, s0  }
0xbd: {  	[sflag:s0] =	ssyncadd.remote.s32 $0x1  }
0xbe: {  	_ =	sfence.sel $0xFFFF  }
0xbf: {  	[dreg:$0x0] =	wrdreg $0xFFFFFFFF;
	(pc) =	sbr.abs _section_cstart, $3  }
0xc0: {  	[dreg:$0x1] =	wrdreg $0xFFFFFFFF  }
0xc1: {  	_ =	task.clear_ibuf [dreg:s7], $0x2FFFF;
	_ =	strace $0x9FFFFFFF  }
0xc2: {  	(tm) =	ssettm $0x7FFFFFFF  }
0xc3: {  	_ =	shalt  }
tec
execute0_lowered:
.L_overlay_start_1:
0x0: {  	(tag) =	ssettag $0x1  }
0x1: {  	s2 =	rddreg [dreg:$0x0]  }
0x2: {  	s5 =	rddreg [dreg:$0x1]  }
0x3: {  	s0 =	rddreg [dreg:$0x2]  }
0x4: {  	s4 =	srdreg.scid;
	s1 =	stileid.u32  }
0x5: {  	s3 =	simm.s32 $0x0;
	s12 =	simm.s32 $0x19000;
	s13 =	simm.s32 $0x9  }
0x6: {  	s14 =	simm.s32 $0x1;
	s15 =	simm.s32 $0x2;
	s16 =	simm.s32 $0x3  }
0x7: {  	s17 =	simm.s32 $0x4;
	s18 =	simm.s32 $0x5;
	s19 =	simm.s32 $0x6  }
0x8: {  	s20 =	simm.s32 $0x7;
	s21 =	simm.s32 $0x8;
	s22 =	simm.s32 $0x0  }
0x9: {  	s4 =	sand.u32 $0x1, s4;
	s6 =	sshll.u32 s1, $0x1;
	[smem:$0x7FF] =	sst s3  }
.Ltmp0:
0xa: {  	s6 =	sor.u32 s4, s6;
	s7 =	ssub.s32 $0x2, s4;
	(pc) =	sbr.rel .LBB2_1-.Ltmp0, $4  }
0xb: {  	_ =	strace $0x80000047;
	s8 =	smul.u32 $0x32000, s6;
	s9 =	sshrl.u32 s7, $0x1  }
0xc: {  	s4 =	sadd.s32 $0xA00, s5;
	s5 =	sadd.s32 $0x1200, s5;
	s11 =	ssub.s32 s7, s9  }
0xd: {  	s6 =	sshll.u32 s6, $0x7;
	s7 =	sadd.s32 s2, s8;
	s11 =	smax.u32 s11, $0x1  }
0xe: {  	s8 =	sadd.s32 $0x640, s7;
	s9 =	sadd.s32 $0xC80, s7;
	s10 =	sadd.s32 $0x12C0, s7  }
.LBB2_42:
0xf: {  	_ =	swait.ge [sflag:s18], $0x3200  }
0x10: {  	[sflag:s18] =	ssyncset.done $0x0  }
0x11: {  	[sflag:s18] =	ssyncadd.s32 $0xFFFFCE00  }
0x12: {  	_ =	swait.ge [sflag:s19], $0x3200  }
0x13: {  	[sflag:s19] =	ssyncset.done $0x0  }
0x14: {  	s22 =	sadd.s32 $0x1, s22;
	[sflag:s19] =	ssyncadd.s32 $0xFFFFCE00  }
0x15: {  	p0 =	sne.s32 s22, s11;
	_ =	swait.ge [sflag:s20], $0x3200  }
.Ltmp1:
0x16: {  	[sflag:s20] =	ssyncset.done $0x0;
	(pc) =	sbr.rel @!p0 .LBB2_43-.Ltmp1, $4  }
0x17: {  	[sflag:s20] =	ssyncadd.s32 $0xFFFFCE00  }
0x18: {  	_ =	swait.ge [sflag:s21], $0x3200  }
0x19: {  	[sflag:s21] =	ssyncset.done $0x0  }
0x1a: {  	[sflag:s21] =	ssyncadd.s32 $0xFFFFCE00  }
.LBB2_1:
0x1b: {  	[tilespmem:s12], [sflag:$0x9] =	stream.linear.gather [hbm4b:s4+s3], $0x3200, $0x38;
	[tilespmem:$0x1C200] =	vst v63  }
0x1c: {  	_ =	swait.ge [sflag:s13], $0x3200  }
0x1d: {  	s23 =	simm.s32 $0x10;
	s26 =	sadd.s32 $0x0, s7;
	[sflag:s13] =	ssyncset.done $0x0  }
0x1e: {  	s24 =	simm.s32 $0x200;
	s25 =	simm.s32 $0x0;
	[sflag:s13] =	ssyncadd.s32 $0xFFFFCE00  }
.LBB2_2:
0x1f: {  	[tilespmem:s25], [sflag:$0x1] =	stream.linear.gather [hbm4b:s26+s3], $0x80, $0x38;
	[tilespmem:$0x1C200] =	vst v63  }
0x20: {  	s26 =	smov.u32 s23;
	s25 =	smov.u32 s24;
	p0 =	sne.s32 s23, $0x630  }
.Ltmp2:
0x21: {  	s23 =	sadd.s32 $0x10, s23;
	(pc) =	sbr.rel @p0 .LBB2_2-.Ltmp2, $2  }
0x22: {  	_ =	sdelay $0x2  }
0x23: {  	s24 =	sadd.s32 $0x200, s24;
	s26 =	sadd.s32 s26, s7  }
0x24: {  	[tilespmem:s25], [sflag:$0x1] =	stream.linear.gather [hbm4b:s26+s3], $0x80, $0x38;
	[tilespmem:$0x1C200] =	vst v63  }
0x25: {  	s23 =	simm.s32 $0x80  }
0x26: {  	s24 =	simm.s32 $0x10;
	s26 =	sadd.s32 $0x0, s8;
	s25 =	simm.s32 $0x280  }
.LBB2_4:
0x27: {  	[tilespmem:s23], [sflag:$0x2] =	stream.linear.gather [hbm4b:s26+s3], $0x80, $0x38;
	[tilespmem:$0x1C200] =	vst v63  }
0x28: {  	s26 =	smov.u32 s24;
	s23 =	smov.u32 s25;
	p0 =	sne.s32 s24, $0x630  }
.Ltmp3:
0x29: {  	s24 =	sadd.s32 $0x10, s24;
	(pc) =	sbr.rel @p0 .LBB2_4-.Ltmp3, $2  }
0x2a: {  	_ =	sdelay $0x2  }
0x2b: {  	s25 =	sadd.s32 $0x200, s25;
	s26 =	sadd.s32 s26, s8  }
0x2c: {  	[tilespmem:s23], [sflag:$0x2] =	stream.linear.gather [hbm4b:s26+s3], $0x80, $0x38;
	[tilespmem:$0x1C200] =	vst v63  }
0x2d: {  	s23 =	simm.s32 $0x100  }
0x2e: {  	s24 =	simm.s32 $0x10;
	s26 =	sadd.s32 $0x0, s9;
	s25 =	simm.s32 $0x300  }
.LBB2_6:
0x2f: {  	[tilespmem:s23], [sflag:$0x3] =	stream.linear.gather [hbm4b:s26+s3], $0x80, $0x38;
	[tilespmem:$0x1C200] =	vst v63  }
0x30: {  	s26 =	smov.u32 s24;
	s23 =	smov.u32 s25;
	p0 =	sne.s32 s24, $0x630  }
.Ltmp4:
0x31: {  	s24 =	sadd.s32 $0x10, s24;
	(pc) =	sbr.rel @p0 .LBB2_6-.Ltmp4, $2  }
0x32: {  	_ =	sdelay $0x2  }
0x33: {  	s25 =	sadd.s32 $0x200, s25;
	s26 =	sadd.s32 s26, s9  }
0x34: {  	[tilespmem:s23], [sflag:$0x3] =	stream.linear.gather [hbm4b:s26+s3], $0x80, $0x38;
	[tilespmem:$0x1C200] =	vst v63  }
0x35: {  	s23 =	simm.s32 $0x0;
	s24 =	simm.s32 $0x180  }
0x36: {  	s25 =	simm.s32 $0x10;
	s28 =	sadd.s32 $0x0, s10;
	s26 =	simm.s32 $0x380  }
.LBB2_8:
0x37: {  	[tilespmem:s24], [sflag:$0x4] =	stream.linear.gather [hbm4b:s28+s23], $0x80, $0x38;
	[tilespmem:$0x1C200] =	vst v63  }
0x38: {  	s28 =	smov.u32 s25;
	s24 =	smov.u32 s26;
	p0 =	sne.s32 s25, $0x630  }
.Ltmp5:
0x39: {  	s25 =	sadd.s32 $0x10, s25;
	(pc) =	sbr.rel @p0 .LBB2_8-.Ltmp5, $2  }
0x3a: {  	_ =	sdelay $0x2  }
0x3b: {  	s26 =	sadd.s32 $0x200, s26;
	s28 =	sadd.s32 s28, s10  }
0x3c: {  	[tilespmem:s24], [sflag:$0x4] =	stream.linear.gather [hbm4b:s28+s23], $0x80, $0x38;
	[tilespmem:$0x1C200] =	vst v63  }
.LBB2_10:
0x3d: {  	_ =	swait.ge [sflag:s14], $0x3200  }
0x3e: {  	p0 =	seq.s32 s23, $0x0;
	[sflag:s14] =	ssyncset.done $0x0  }
0x3f: {  	s24 =	simm.s32 @!p0 $0x5;
	[sflag:s14] =	ssyncadd.s32 $0xFFFFCE00  }
0x40: {  	_ =	swait.ge @!p0 [sflag:s24], $0x3200  }
0x41: {  	[sflag:s24] =	ssyncset.done @!p0 $0x0  }
0x42: {  	s26 =	sshll.u32 s23, $0x2;
	s25 =	simm.s32 $0x0;
	[sflag:s24] =	ssyncadd.s32 @!p0 $0xFFFFCE00  }
0x43: {  	s28 =	simm.s32 $0x800;
	s24 =	sadd.s32 s6, s26;
	s26 =	simm.s32 $0x19040;
	v0 =	vld [tilespmem:s25+$0x0]  }
.LBB2_11:
0x44: {  	p1 =	sne.s32 s28, $0x31800;
	v1 =	vld [tilespmem:s26+$0xFFFFFFC0];
	_ =	sdelay $0x4  }
0x45: {  	v0 =	vadd.f32 v1, v0;
	_ =	sdelay $0x1  }
0x46: {  	[tilespmem:s25+$0xC800] =	vst v0;
	v0 =	vld [tilespmem:s25+$0x10]  }
0x47: {  	v1 =	vld [tilespmem:s26+$0xFFFFFFD0];
	_ =	sdelay $0x4  }
0x48: {  	v0 =	vadd.f32 v1, v0;
	_ =	sdelay $0x1  }
0x49: {  	[tilespmem:s25+$0xC810] =	vst v0;
	v0 =	vld [tilespmem:s25+$0x20]  }
0x4a: {  	v1 =	vld [tilespmem:s26+$0xFFFFFFE0];
	_ =	sdelay $0x4  }
0x4b: {  	v0 =	vadd.f32 v1, v0;
	_ =	sdelay $0x1  }
0x4c: {  	[tilespmem:s25+$0xC820] =	vst v0;
	v0 =	vld [tilespmem:s25+$0x30]  }
0x4d: {  	v1 =	vld [tilespmem:s26+$0xFFFFFFF0];
	_ =	sdelay $0x4  }
0x4e: {  	v0 =	vadd.f32 v1, v0;
	_ =	sdelay $0x1  }
0x4f: {  	[tilespmem:s25+$0xC830] =	vst v0;
	v0 =	vld [tilespmem:s25+$0x40]  }
0x50: {  	v1 =	vld [tilespmem:s26+$0x0];
	_ =	sdelay $0x4  }
0x51: {  	v0 =	vadd.f32 v1, v0;
	_ =	sdelay $0x1  }
0x52: {  	[tilespmem:s25+$0xC840] =	vst v0;
	v0 =	vld [tilespmem:s25+$0x50]  }
0x53: {  	v1 =	vld [tilespmem:s26+$0x10];
	_ =	sdelay $0x4  }
0x54: {  	v0 =	vadd.f32 v1, v0;
	_ =	sdelay $0x1  }
0x55: {  	[tilespmem:s25+$0xC850] =	vst v0;
	v0 =	vld [tilespmem:s25+$0x60]  }
0x56: {  	v1 =	vld [tilespmem:s26+$0x20];
	_ =	sdelay $0x4  }
0x57: {  	v0 =	vadd.f32 v1, v0;
	_ =	sdelay $0x1  }
0x58: {  	[tilespmem:s25+$0xC860] =	vst v0;
	v0 =	vld [tilespmem:s25+$0x70]  }
0x59: {  	v1 =	vld [tilespmem:s26+$0x30];
	_ =	sdelay $0x2  }
.Ltmp6:
0x5a: {  	(pc) =	sbr.rel @p1 .LBB2_11-.Ltmp6, $4  }
0x5b: {  	_ = 	snop  }
0x5c: {  	v1 =	vadd.f32 v1, v0  }
0x5d: {  	s29 =	sshra.s32 s28, $0x2  }
0x5e: {  	s28 =	sadd.s32 $0x800, s28;
	s26 =	sadd.s32 $0x80, s26;
	v0 =	vld [tilespmem:s29+$0x0];
	[tilespmem:s25+$0xC870] =	vst v1;
	s25 =	smov.u32 s29  }
0x5f: {  	v1 =	vld [tilespmem:s26+$0xFFFFFFC0];
	_ =	sdelay $0x4  }
0x60: {  	v0 =	vadd.f32 v1, v0;
	_ =	sdelay $0x1  }
0x61: {  	v50 =	vld [tilespmem:s25+$0x10];
	[tilespmem:s25+$0xC800] =	vst v0  }
0x62: {  	v51 =	vld [tilespmem:s26+$0xFFFFFFD0];
	_ =	sdelay $0x4  }
0x63: {  	v0 =	vadd.f32 v51, v50;
	_ =	sdelay $0x1  }
0x64: {  	v52 =	vld [tilespmem:s25+$0x20];
	[tilespmem:s25+$0xC810] =	vst v0  }
0x65: {  	v53 =	vld [tilespmem:s26+$0xFFFFFFE0];
	_ =	sdelay $0x4  }
0x66: {  	v0 =	vadd.f32 v53, v52;
	_ =	sdelay $0x1  }
0x67: {  	v54 =	vld [tilespmem:s25+$0x30];
	[tilespmem:s25+$0xC820] =	vst v0  }
0x68: {  	v55 =	vld [tilespmem:s26+$0xFFFFFFF0];
	_ =	sdelay $0x4  }
0x69: {  	v0 =	vadd.f32 v55, v54;
	_ =	sdelay $0x1  }
0x6a: {  	v56 =	vld [tilespmem:s25+$0x40];
	[tilespmem:s25+$0xC830] =	vst v0  }
0x6b: {  	v57 =	vld [tilespmem:s26+$0x0];
	_ =	sdelay $0x4  }
0x6c: {  	v0 =	vadd.f32 v57, v56;
	_ =	sdelay $0x1  }
0x6d: {  	v58 =	vld [tilespmem:s25+$0x50];
	[tilespmem:s25+$0xC840] =	vst v0  }
0x6e: {  	v59 =	vld [tilespmem:s26+$0x10];
	_ =	sdelay $0x4  }
0x6f: {  	v0 =	vadd.f32 v59, v58;
	_ =	sdelay $0x1  }
0x70: {  	v60 =	vld [tilespmem:s25+$0x60];
	[tilespmem:s25+$0xC850] =	vst v0  }
0x71: {  	v61 =	vld [tilespmem:s26+$0x20];
	_ =	sdelay $0x4  }
0x72: {  	v0 =	vadd.f32 v61, v60;
	_ =	sdelay $0x1  }
0x73: {  	v62 =	vld [tilespmem:s25+$0x70];
	[tilespmem:s25+$0xC860] =	vst v0  }
0x74: {  	v63 =	vld [tilespmem:s26+$0x30];
	_ =	sdelay $0x3  }
0x75: {  	s31 =	smul.u32 $0x640, s24  }
0x76: {  	v0 =	vadd.f32 v63, v62  }
0x77: {  	s28 =	simm.s32 $0xC800;
	s26 =	sadd.s32 s5, s31  }
0x78: {  	s29 =	simm.s32 $0xCA00;
	s30 =	sadd.s32 $0x0, s26;
	[tilespmem:s25+$0xC870] =	vst v0;
	s25 =	simm.s32 $0x10  }
.LBB2_13:
0x79: {  	[hbm4b:s30+s3] =	stream.linear.scatter [tilespmem:s28], [sflag:$0x5], $0x80, $0x38;
	[tilespmem:$0x1C200] =	vst v63  }
0x7a: {  	s30 =	smov.u32 s25;
	s28 =	smov.u32 s29;
	p1 =	sne.s32 s25, $0x630  }
.Ltmp7:
0x7b: {  	s25 =	sadd.s32 $0x10, s25;
	(pc) =	sbr.rel @p1 .LBB2_13-.Ltmp7, $2  }
0x7c: {  	_ =	sdelay $0x2  }
0x7d: {  	s29 =	sadd.s32 $0x200, s29;
	s30 =	sadd.s32 s30, s26  }
0x7e: {  	p1 =	seq.s32 s23, $0x1F  }
.Ltmp8:
0x7f: {  	_ = 	snop;
	(pc) =	sbr.rel @p1 .LBB2_18-.Ltmp8, $3  }
0x80: {  	_ =	sdelay $0x1  }
0x81: {  	[hbm4b:s30+s3] =	stream.linear.scatter [tilespmem:s28], [sflag:$0x5], $0x80, $0x38;
	[tilespmem:$0x1C200] =	vst v63  }
0x82: {  	s24 =	smul.u32 $0x3200, s24  }
0x83: {  	_ = 	snop  }
0x84: {  	s25 =	sshrl.u32 s24, $0x3  }
0x85: {  	s25 =	sadd.s32 s2, s25  }
0x86: {  	s26 =	simm.s32 $0x0;
	s25 =	sadd.s32 $0x1900, s25  }
0x87: {  	s28 =	simm.s32 $0x10;
	s29 =	simm.s32 $0x200;
	s30 =	sadd.s32 $0x0, s25  }
.LBB2_16:
0x88: {  	[tilespmem:s26], [sflag:$0x1] =	stream.linear.gather [hbm4b:s30+s3], $0x80, $0x38;
	[tilespmem:$0x1C200] =	vst v63  }
0x89: {  	s30 =	smov.u32 s28;
	s26 =	smov.u32 s29;
	p2 =	sne.s32 s28, $0x630  }
.Ltmp9:
0x8a: {  	s28 =	sadd.s32 $0x10, s28;
	(pc) =	sbr.rel @p2 .LBB2_16-.Ltmp9, $2  }
0x8b: {  	_ =	sdelay $0x2  }
0x8c: {  	s29 =	sadd.s32 $0x200, s29;
	s30 =	sadd.s32 s30, s25  }
0x8d: {  	[tilespmem:s26], [sflag:$0x1] =	stream.linear.gather [hbm4b:s30+s3], $0x80, $0x38;
	[tilespmem:$0x1C200] =	vst v63  }
.LBB2_18:
0x8e: {  	_ =	swait.ge [sflag:s15], $0x3200  }
0x8f: {  	[sflag:s15] =	ssyncset.done $0x0  }
0x90: {  	s25 =	simm.s32 @!p0 $0x6;
	[sflag:s15] =	ssyncadd.s32 $0xFFFFCE00  }
0x91: {  	_ =	swait.ge @!p0 [sflag:s25], $0x3200  }
0x92: {  	[sflag:s25] =	ssyncset.done @!p0 $0x0  }
0x93: {  	[sflag:s25] =	ssyncadd.s32 @!p0 $0xFFFFCE00;
	s25 =	simm.s32 $0x0  }
0x94: {  	s28 =	simm.s32 $0x19040;
	s29 =	simm.s32 $0x800;
	s26 =	sadd.s32 $0x3200, s24;
	v0 =	vld [tilespmem:s25+$0x80]  }
.LBB2_19:
0x95: {  	p2 =	sne.s32 s29, $0x31800;
	v1 =	vld [tilespmem:s28+$0xFFFFFFC0];
	_ =	sdelay $0x4  }
0x96: {  	v0 =	vadd.f32 v1, v0;
	_ =	sdelay $0x1  }
0x97: {  	[tilespmem:s25+$0xC880] =	vst v0;
	v0 =	vld [tilespmem:s25+$0x90]  }
0x98: {  	v1 =	vld [tilespmem:s28+$0xFFFFFFD0];
	_ =	sdelay $0x4  }
0x99: {  	v0 =	vadd.f32 v1, v0;
	_ =	sdelay $0x1  }
0x9a: {  	[tilespmem:s25+$0xC890] =	vst v0;
	v0 =	vld [tilespmem:s25+$0xA0]  }
0x9b: {  	v1 =	vld [tilespmem:s28+$0xFFFFFFE0];
	_ =	sdelay $0x4  }
0x9c: {  	v0 =	vadd.f32 v1, v0;
	_ =	sdelay $0x1  }
0x9d: {  	[tilespmem:s25+$0xC8A0] =	vst v0;
	v0 =	vld [tilespmem:s25+$0xB0]  }
0x9e: {  	v1 =	vld [tilespmem:s28+$0xFFFFFFF0];
	_ =	sdelay $0x4  }
0x9f: {  	v0 =	vadd.f32 v1, v0;
	_ =	sdelay $0x1  }
0xa0: {  	[tilespmem:s25+$0xC8B0] =	vst v0;
	v0 =	vld [tilespmem:s25+$0xC0]  }
0xa1: {  	v1 =	vld [tilespmem:s28+$0x0];
	_ =	sdelay $0x4  }
0xa2: {  	v0 =	vadd.f32 v1, v0;
	_ =	sdelay $0x1  }
0xa3: {  	[tilespmem:s25+$0xC8C0] =	vst v0;
	v0 =	vld [tilespmem:s25+$0xD0]  }
0xa4: {  	v1 =	vld [tilespmem:s28+$0x10];
	_ =	sdelay $0x4  }
0xa5: {  	v0 =	vadd.f32 v1, v0;
	_ =	sdelay $0x1  }
0xa6: {  	[tilespmem:s25+$0xC8D0] =	vst v0;
	v0 =	vld [tilespmem:s25+$0xE0]  }
0xa7: {  	v1 =	vld [tilespmem:s28+$0x20];
	_ =	sdelay $0x4  }
0xa8: {  	v0 =	vadd.f32 v1, v0;
	_ =	sdelay $0x1  }
0xa9: {  	[tilespmem:s25+$0xC8E0] =	vst v0;
	v0 =	vld [tilespmem:s25+$0xF0]  }
0xaa: {  	v1 =	vld [tilespmem:s28+$0x30];
	_ =	sdelay $0x2  }
.Ltmp10:
0xab: {  	(pc) =	sbr.rel @p2 .LBB2_19-.Ltmp10, $4  }
0xac: {  	_ = 	snop  }
0xad: {  	v1 =	vadd.f32 v1, v0  }
0xae: {  	s30 =	sshra.s32 s29, $0x2  }
0xaf: {  	s29 =	sadd.s32 $0x800, s29;
	s28 =	sadd.s32 $0x80, s28;
	v0 =	vld [tilespmem:s30+$0x80];
	[tilespmem:s25+$0xC8F0] =	vst v1;
	s25 =	smov.u32 s30  }
0xb0: {  	v1 =	vld [tilespmem:s28+$0xFFFFFFC0];
	_ =	sdelay $0x4  }
0xb1: {  	v0 =	vadd.f32 v1, v0;
	_ =	sdelay $0x1  }
0xb2: {  	v50 =	vld [tilespmem:s25+$0x90];
	[tilespmem:s25+$0xC880] =	vst v0  }
0xb3: {  	v51 =	vld [tilespmem:s28+$0xFFFFFFD0];
	_ =	sdelay $0x4  }
0xb4: {  	v0 =	vadd.f32 v51, v50;
	_ =	sdelay $0x1  }
0xb5: {  	v52 =	vld [tilespmem:s25+$0xA0];
	[tilespmem:s25+$0xC890] =	vst v0  }
0xb6: {  	v53 =	vld [tilespmem:s28+$0xFFFFFFE0];
	_ =	sdelay $0x4  }
0xb7: {  	v0 =	vadd.f32 v53, v52;
	_ =	sdelay $0x1  }
0xb8: {  	v54 =	vld [tilespmem:s25+$0xB0];
	[tilespmem:s25+$0xC8A0] =	vst v0  }
0xb9: {  	v55 =	vld [tilespmem:s28+$0xFFFFFFF0];
	_ =	sdelay $0x4  }
0xba: {  	v0 =	vadd.f32 v55, v54;
	_ =	sdelay $0x1  }
0xbb: {  	v56 =	vld [tilespmem:s25+$0xC0];
	[tilespmem:s25+$0xC8B0] =	vst v0  }
0xbc: {  	v57 =	vld [tilespmem:s28+$0x0];
	_ =	sdelay $0x4  }
0xbd: {  	v0 =	vadd.f32 v57, v56;
	_ =	sdelay $0x1  }
0xbe: {  	v58 =	vld [tilespmem:s25+$0xD0];
	[tilespmem:s25+$0xC8C0] =	vst v0  }
0xbf: {  	v59 =	vld [tilespmem:s28+$0x10];
	_ =	sdelay $0x4  }
0xc0: {  	v0 =	vadd.f32 v59, v58;
	_ =	sdelay $0x1  }
0xc1: {  	v60 =	vld [tilespmem:s25+$0xE0];
	[tilespmem:s25+$0xC8D0] =	vst v0  }
0xc2: {  	v61 =	vld [tilespmem:s28+$0x20];
	_ =	sdelay $0x4  }
0xc3: {  	v0 =	vadd.f32 v61, v60;
	_ =	sdelay $0x1  }
0xc4: {  	v62 =	vld [tilespmem:s25+$0xF0];
	[tilespmem:s25+$0xC8E0] =	vst v0  }
0xc5: {  	v63 =	vld [tilespmem:s28+$0x30];
	_ =	sdelay $0x4  }
0xc6: {  	s26 =	sshrl.u32 s26, $0x3;
	v0 =	vadd.f32 v63, v62  }
0xc7: {  	s29 =	simm.s32 $0xCA80;
	s26 =	sadd.s32 s5, s26  }
0xc8: {  	s30 =	sadd.s32 $0x0, s26;
	s28 =	simm.s32 $0xC880;
	[tilespmem:s25+$0xC8F0] =	vst v0;
	s25 =	simm.s32 $0x10  }
.LBB2_21:
0xc9: {  	[hbm4b:s30+s3] =	stream.linear.scatter [tilespmem:s28], [sflag:$0x6], $0x80, $0x38;
	[tilespmem:$0x1C200] =	vst v63  }
0xca: {  	s30 =	smov.u32 s25;
	s28 =	smov.u32 s29;
	p2 =	sne.s32 s25, $0x630  }
.Ltmp11:
0xcb: {  	s25 =	sadd.s32 $0x10, s25;
	(pc) =	sbr.rel @p2 .LBB2_21-.Ltmp11, $2  }
0xcc: {  	_ =	sdelay $0x2  }
0xcd: {  	s29 =	sadd.s32 $0x200, s29;
	s30 =	sadd.s32 s30, s26  }
.Ltmp12:
0xce: {  	(pc) =	sbr.rel @p1 .LBB2_26-.Ltmp12, $2  }
0xcf: {  	_ =	sdelay $0x2  }
0xd0: {  	[hbm4b:s30+s3] =	stream.linear.scatter [tilespmem:s28], [sflag:$0x6], $0x80, $0x38;
	[tilespmem:$0x1C200] =	vst v63  }
0xd1: {  	s25 =	sshrl.u32 s24, $0x3  }
0xd2: {  	s25 =	sadd.s32 s2, s25  }
0xd3: {  	s26 =	simm.s32 $0x80;
	s25 =	sadd.s32 $0x1F40, s25  }
0xd4: {  	s28 =	simm.s32 $0x10;
	s29 =	simm.s32 $0x280;
	s30 =	sadd.s32 $0x0, s25  }
.LBB2_24:
0xd5: {  	[tilespmem:s26], [sflag:$0x2] =	stream.linear.gather [hbm4b:s30+s3], $0x80, $0x38;
	[tilespmem:$0x1C200] =	vst v63  }
0xd6: {  	s30 =	smov.u32 s28;
	s26 =	smov.u32 s29;
	p2 =	sne.s32 s28, $0x630  }
.Ltmp13:
0xd7: {  	s28 =	sadd.s32 $0x10, s28;
	(pc) =	sbr.rel @p2 .LBB2_24-.Ltmp13, $2  }
0xd8: {  	_ =	sdelay $0x2  }
0xd9: {  	s29 =	sadd.s32 $0x200, s29;
	s30 =	sadd.s32 s30, s25  }
0xda: {  	[tilespmem:s26], [sflag:$0x2] =	stream.linear.gather [hbm4b:s30+s3], $0x80, $0x38;
	[tilespmem:$0x1C200] =	vst v63  }
.LBB2_26:
0xdb: {  	_ =	swait.ge [sflag:s16], $0x3200  }
0xdc: {  	[sflag:s16] =	ssyncset.done $0x0  }
0xdd: {  	s25 =	simm.s32 @!p0 $0x7;
	[sflag:s16] =	ssyncadd.s32 $0xFFFFCE00  }
0xde: {  	_ =	swait.ge @!p0 [sflag:s25], $0x3200  }
0xdf: {  	[sflag:s25] =	ssyncset.done @!p0 $0x0  }
0xe0: {  	[sflag:s25] =	ssyncadd.s32 @!p0 $0xFFFFCE00;
	s25 =	simm.s32 $0x0  }
0xe1: {  	s26 =	sadd.s32 $0x6400, s24;
	s28 =	simm.s32 $0x19040;
	s29 =	simm.s32 $0x800;
	v0 =	vld [tilespmem:s25+$0x100]  }
.LBB2_27:
0xe2: {  	p2 =	sne.s32 s29, $0x31800;
	v1 =	vld [tilespmem:s28+$0xFFFFFFC0];
	_ =	sdelay $0x4  }
0xe3: {  	v0 =	vadd.f32 v1, v0;
	_ =	sdelay $0x1  }
0xe4: {  	[tilespmem:s25+$0xC900] =	vst v0;
	v0 =	vld [tilespmem:s25+$0x110]  }
0xe5: {  	v1 =	vld [tilespmem:s28+$0xFFFFFFD0];
	_ =	sdelay $0x4  }
0xe6: {  	v0 =	vadd.f32 v1, v0;
	_ =	sdelay $0x1  }
0xe7: {  	[tilespmem:s25+$0xC910] =	vst v0;
	v0 =	vld [tilespmem:s25+$0x120]  }
0xe8: {  	v1 =	vld [tilespmem:s28+$0xFFFFFFE0];
	_ =	sdelay $0x4  }
0xe9: {  	v0 =	vadd.f32 v1, v0;
	_ =	sdelay $0x1  }
0xea: {  	[tilespmem:s25+$0xC920] =	vst v0;
	v0 =	vld [tilespmem:s25+$0x130]  }
0xeb: {  	v1 =	vld [tilespmem:s28+$0xFFFFFFF0];
	_ =	sdelay $0x4  }
0xec: {  	v0 =	vadd.f32 v1, v0;
	_ =	sdelay $0x1  }
0xed: {  	[tilespmem:s25+$0xC930] =	vst v0;
	v0 =	vld [tilespmem:s25+$0x140]  }
0xee: {  	v1 =	vld [tilespmem:s28+$0x0];
	_ =	sdelay $0x4  }
0xef: {  	v0 =	vadd.f32 v1, v0;
	_ =	sdelay $0x1  }
0xf0: {  	[tilespmem:s25+$0xC940] =	vst v0;
	v0 =	vld [tilespmem:s25+$0x150]  }
0xf1: {  	v1 =	vld [tilespmem:s28+$0x10];
	_ =	sdelay $0x4  }
0xf2: {  	v0 =	vadd.f32 v1, v0;
	_ =	sdelay $0x1  }
0xf3: {  	[tilespmem:s25+$0xC950] =	vst v0;
	v0 =	vld [tilespmem:s25+$0x160]  }
0xf4: {  	v1 =	vld [tilespmem:s28+$0x20];
	_ =	sdelay $0x4  }
0xf5: {  	v0 =	vadd.f32 v1, v0;
	_ =	sdelay $0x1  }
0xf6: {  	[tilespmem:s25+$0xC960] =	vst v0;
	v0 =	vld [tilespmem:s25+$0x170]  }
0xf7: {  	v1 =	vld [tilespmem:s28+$0x30];
	_ =	sdelay $0x2  }
.Ltmp14:
0xf8: {  	(pc) =	sbr.rel @p2 .LBB2_27-.Ltmp14, $4  }
0xf9: {  	_ = 	snop  }
0xfa: {  	v1 =	vadd.f32 v1, v0  }
0xfb: {  	s30 =	sshra.s32 s29, $0x2  }
0xfc: {  	s29 =	sadd.s32 $0x800, s29;
	s28 =	sadd.s32 $0x80, s28;
	v0 =	vld [tilespmem:s30+$0x100];
	[tilespmem:s25+$0xC970] =	vst v1;
	s25 =	smov.u32 s30  }
0xfd: {  	v1 =	vld [tilespmem:s28+$0xFFFFFFC0];
	_ =	sdelay $0x4  }
0xfe: {  	v0 =	vadd.f32 v1, v0;
	_ =	sdelay $0x1  }
0xff: {  	v50 =	vld [tilespmem:s25+$0x110];
	[tilespmem:s25+$0xC900] =	vst v0  }
0x100: {  	v51 =	vld [tilespmem:s28+$0xFFFFFFD0];
	_ =	sdelay $0x4  }
0x101: {  	v0 =	vadd.f32 v51, v50;
	_ =	sdelay $0x1  }
0x102: {  	v52 =	vld [tilespmem:s25+$0x120];
	[tilespmem:s25+$0xC910] =	vst v0  }
0x103: {  	v53 =	vld [tilespmem:s28+$0xFFFFFFE0];
	_ =	sdelay $0x4  }
0x104: {  	v0 =	vadd.f32 v53, v52;
	_ =	sdelay $0x1  }
0x105: {  	v54 =	vld [tilespmem:s25+$0x130];
	[tilespmem:s25+$0xC920] =	vst v0  }
0x106: {  	v55 =	vld [tilespmem:s28+$0xFFFFFFF0];
	_ =	sdelay $0x4  }
0x107: {  	v0 =	vadd.f32 v55, v54;
	_ =	sdelay $0x1  }
0x108: {  	v56 =	vld [tilespmem:s25+$0x140];
	[tilespmem:s25+$0xC930] =	vst v0  }
0x109: {  	v57 =	vld [tilespmem:s28+$0x0];
	_ =	sdelay $0x4  }
0x10a: {  	v0 =	vadd.f32 v57, v56;
	_ =	sdelay $0x1  }
0x10b: {  	v58 =	vld [tilespmem:s25+$0x150];
	[tilespmem:s25+$0xC940] =	vst v0  }
0x10c: {  	v59 =	vld [tilespmem:s28+$0x10];
	_ =	sdelay $0x4  }
0x10d: {  	v0 =	vadd.f32 v59, v58;
	_ =	sdelay $0x1  }
0x10e: {  	v60 =	vld [tilespmem:s25+$0x160];
	[tilespmem:s25+$0xC950] =	vst v0  }
0x10f: {  	v61 =	vld [tilespmem:s28+$0x20];
	_ =	sdelay $0x4  }
0x110: {  	v0 =	vadd.f32 v61, v60;
	_ =	sdelay $0x1  }
0x111: {  	v62 =	vld [tilespmem:s25+$0x170];
	[tilespmem:s25+$0xC960] =	vst v0  }
0x112: {  	v63 =	vld [tilespmem:s28+$0x30];
	_ =	sdelay $0x4  }
0x113: {  	s26 =	sshrl.u32 s26, $0x3;
	v0 =	vadd.f32 v63, v62  }
0x114: {  	s29 =	simm.s32 $0xCB00;
	s26 =	sadd.s32 s5, s26  }
0x115: {  	s30 =	sadd.s32 $0x0, s26;
	s28 =	simm.s32 $0xC900;
	[tilespmem:s25+$0xC970] =	vst v0;
	s25 =	simm.s32 $0x10  }
.LBB2_29:
0x116: {  	[hbm4b:s30+s3] =	stream.linear.scatter [tilespmem:s28], [sflag:$0x7], $0x80, $0x38;
	[tilespmem:$0x1C200] =	vst v63  }
0x117: {  	s30 =	smov.u32 s25;
	s28 =	smov.u32 s29;
	p2 =	sne.s32 s25, $0x630  }
.Ltmp15:
0x118: {  	s25 =	sadd.s32 $0x10, s25;
	(pc) =	sbr.rel @p2 .LBB2_29-.Ltmp15, $2  }
0x119: {  	_ =	sdelay $0x2  }
0x11a: {  	s29 =	sadd.s32 $0x200, s29;
	s30 =	sadd.s32 s30, s26  }
.Ltmp16:
0x11b: {  	(pc) =	sbr.rel @p1 .LBB2_34-.Ltmp16, $2  }
0x11c: {  	_ =	sdelay $0x2  }
0x11d: {  	[hbm4b:s30+s3] =	stream.linear.scatter [tilespmem:s28], [sflag:$0x7], $0x80, $0x38;
	[tilespmem:$0x1C200] =	vst v63  }
0x11e: {  	s25 =	sshrl.u32 s24, $0x3  }
0x11f: {  	s25 =	sadd.s32 s2, s25  }
0x120: {  	s26 =	simm.s32 $0x100;
	s25 =	sadd.s32 $0x2580, s25  }
0x121: {  	s28 =	simm.s32 $0x10;
	s29 =	simm.s32 $0x300;
	s30 =	sadd.s32 $0x0, s25  }
.LBB2_32:
0x122: {  	[tilespmem:s26], [sflag:$0x3] =	stream.linear.gather [hbm4b:s30+s3], $0x80, $0x38;
	[tilespmem:$0x1C200] =	vst v63  }
0x123: {  	s30 =	smov.u32 s28;
	s26 =	smov.u32 s29;
	p2 =	sne.s32 s28, $0x630  }
.Ltmp17:
0x124: {  	s28 =	sadd.s32 $0x10, s28;
	(pc) =	sbr.rel @p2 .LBB2_32-.Ltmp17, $2  }
0x125: {  	_ =	sdelay $0x2  }
0x126: {  	s29 =	sadd.s32 $0x200, s29;
	s30 =	sadd.s32 s30, s25  }
0x127: {  	[tilespmem:s26], [sflag:$0x3] =	stream.linear.gather [hbm4b:s30+s3], $0x80, $0x38;
	[tilespmem:$0x1C200] =	vst v63  }
.LBB2_34:
0x128: {  	_ =	swait.ge [sflag:s17], $0x3200  }
0x129: {  	[sflag:s17] =	ssyncset.done $0x0  }
0x12a: {  	s25 =	simm.s32 @!p0 $0x8;
	[sflag:s17] =	ssyncadd.s32 $0xFFFFCE00  }
0x12b: {  	_ =	swait.ge @!p0 [sflag:s25], $0x3200  }
0x12c: {  	[sflag:s25] =	ssyncset.done @!p0 $0x0  }
0x12d: {  	[sflag:s25] =	ssyncadd.s32 @!p0 $0xFFFFCE00;
	s25 =	simm.s32 $0x0  }
0x12e: {  	s26 =	sadd.s32 $0x9600, s24;
	s28 =	simm.s32 $0x19040;
	s29 =	simm.s32 $0x800;
	v0 =	vld [tilespmem:s25+$0x180]  }
.LBB2_35:
0x12f: {  	p0 =	sne.s32 s29, $0x31800;
	v1 =	vld [tilespmem:s28+$0xFFFFFFC0];
	_ =	sdelay $0x4  }
0x130: {  	v0 =	vadd.f32 v1, v0;
	_ =	sdelay $0x1  }
0x131: {  	[tilespmem:s25+$0xC980] =	vst v0;
	v0 =	vld [tilespmem:s25+$0x190]  }
0x132: {  	v1 =	vld [tilespmem:s28+$0xFFFFFFD0];
	_ =	sdelay $0x4  }
0x133: {  	v0 =	vadd.f32 v1, v0;
	_ =	sdelay $0x1  }
0x134: {  	[tilespmem:s25+$0xC990] =	vst v0;
	v0 =	vld [tilespmem:s25+$0x1A0]  }
0x135: {  	v1 =	vld [tilespmem:s28+$0xFFFFFFE0];
	_ =	sdelay $0x4  }
0x136: {  	v0 =	vadd.f32 v1, v0;
	_ =	sdelay $0x1  }
0x137: {  	[tilespmem:s25+$0xC9A0] =	vst v0;
	v0 =	vld [tilespmem:s25+$0x1B0]  }
0x138: {  	v1 =	vld [tilespmem:s28+$0xFFFFFFF0];
	_ =	sdelay $0x4  }
0x139: {  	v0 =	vadd.f32 v1, v0;
	_ =	sdelay $0x1  }
0x13a: {  	[tilespmem:s25+$0xC9B0] =	vst v0;
	v0 =	vld [tilespmem:s25+$0x1C0]  }
0x13b: {  	v1 =	vld [tilespmem:s28+$0x0];
	_ =	sdelay $0x4  }
0x13c: {  	v0 =	vadd.f32 v1, v0;
	_ =	sdelay $0x1  }
0x13d: {  	[tilespmem:s25+$0xC9C0] =	vst v0;
	v0 =	vld [tilespmem:s25+$0x1D0]  }
0x13e: {  	v1 =	vld [tilespmem:s28+$0x10];
	_ =	sdelay $0x4  }
0x13f: {  	v0 =	vadd.f32 v1, v0;
	_ =	sdelay $0x1  }
0x140: {  	[tilespmem:s25+$0xC9D0] =	vst v0;
	v0 =	vld [tilespmem:s25+$0x1E0]  }
0x141: {  	v1 =	vld [tilespmem:s28+$0x20];
	_ =	sdelay $0x4  }
0x142: {  	v0 =	vadd.f32 v1, v0;
	_ =	sdelay $0x1  }
0x143: {  	[tilespmem:s25+$0xC9E0] =	vst v0;
	v0 =	vld [tilespmem:s25+$0x1F0]  }
0x144: {  	v1 =	vld [tilespmem:s28+$0x30];
	_ =	sdelay $0x2  }
.Ltmp18:
0x145: {  	(pc) =	sbr.rel @p0 .LBB2_35-.Ltmp18, $4  }
0x146: {  	_ = 	snop  }
0x147: {  	v1 =	vadd.f32 v1, v0  }
0x148: {  	s30 =	sshra.s32 s29, $0x2  }
0x149: {  	s29 =	sadd.s32 $0x800, s29;
	s28 =	sadd.s32 $0x80, s28;
	v0 =	vld [tilespmem:s30+$0x180];
	[tilespmem:s25+$0xC9F0] =	vst v1;
	s25 =	smov.u32 s30  }
0x14a: {  	v1 =	vld [tilespmem:s28+$0xFFFFFFC0];
	_ =	sdelay $0x4  }
0x14b: {  	v0 =	vadd.f32 v1, v0;
	_ =	sdelay $0x1  }
0x14c: {  	v50 =	vld [tilespmem:s25+$0x190];
	[tilespmem:s25+$0xC980] =	vst v0  }
0x14d: {  	v51 =	vld [tilespmem:s28+$0xFFFFFFD0];
	_ =	sdelay $0x4  }
0x14e: {  	v0 =	vadd.f32 v51, v50;
	_ =	sdelay $0x1  }
0x14f: {  	v52 =	vld [tilespmem:s25+$0x1A0];
	[tilespmem:s25+$0xC990] =	vst v0  }
0x150: {  	v53 =	vld [tilespmem:s28+$0xFFFFFFE0];
	_ =	sdelay $0x4  }
0x151: {  	v0 =	vadd.f32 v53, v52;
	_ =	sdelay $0x1  }
0x152: {  	v54 =	vld [tilespmem:s25+$0x1B0];
	[tilespmem:s25+$0xC9A0] =	vst v0  }
0x153: {  	v55 =	vld [tilespmem:s28+$0xFFFFFFF0];
	_ =	sdelay $0x4  }
0x154: {  	v0 =	vadd.f32 v55, v54;
	_ =	sdelay $0x1  }
0x155: {  	v56 =	vld [tilespmem:s25+$0x1C0];
	[tilespmem:s25+$0xC9B0] =	vst v0  }
0x156: {  	v57 =	vld [tilespmem:s28+$0x0];
	_ =	sdelay $0x4  }
0x157: {  	v0 =	vadd.f32 v57, v56;
	_ =	sdelay $0x1  }
0x158: {  	v58 =	vld [tilespmem:s25+$0x1D0];
	[tilespmem:s25+$0xC9C0] =	vst v0  }
0x159: {  	v59 =	vld [tilespmem:s28+$0x10];
	_ =	sdelay $0x4  }
0x15a: {  	v0 =	vadd.f32 v59, v58;
	_ =	sdelay $0x1  }
0x15b: {  	v60 =	vld [tilespmem:s25+$0x1E0];
	[tilespmem:s25+$0xC9D0] =	vst v0  }
0x15c: {  	v61 =	vld [tilespmem:s28+$0x20];
	_ =	sdelay $0x4  }
0x15d: {  	v0 =	vadd.f32 v61, v60;
	_ =	sdelay $0x1  }
0x15e: {  	v62 =	vld [tilespmem:s25+$0x1F0];
	[tilespmem:s25+$0xC9E0] =	vst v0  }
0x15f: {  	v63 =	vld [tilespmem:s28+$0x30];
	_ =	sdelay $0x4  }
0x160: {  	s26 =	sshrl.u32 s26, $0x3;
	v0 =	vadd.f32 v63, v62  }
0x161: {  	s29 =	simm.s32 $0xCB80;
	s26 =	sadd.s32 s5, s26  }
0x162: {  	s30 =	sadd.s32 $0x0, s26;
	s28 =	simm.s32 $0xC980;
	[tilespmem:s25+$0xC9F0] =	vst v0;
	s25 =	simm.s32 $0x10  }
.LBB2_37:
0x163: {  	[hbm4b:s30+s3] =	stream.linear.scatter [tilespmem:s28], [sflag:$0x8], $0x80, $0x38;
	[tilespmem:$0x1C200] =	vst v63  }
0x164: {  	s30 =	smov.u32 s25;
	s28 =	smov.u32 s29;
	p0 =	sne.s32 s25, $0x630  }
.Ltmp19:
0x165: {  	s25 =	sadd.s32 $0x10, s25;
	(pc) =	sbr.rel @p0 .LBB2_37-.Ltmp19, $2  }
0x166: {  	_ =	sdelay $0x2  }
0x167: {  	s29 =	sadd.s32 $0x200, s29;
	s30 =	sadd.s32 s30, s26  }
.Ltmp20:
0x168: {  	(pc) =	sbr.rel @p1 .LBB2_42-.Ltmp20, $2  }
0x169: {  	_ =	sdelay $0x2  }
0x16a: {  	[hbm4b:s30+s3] =	stream.linear.scatter [tilespmem:s28], [sflag:$0x8], $0x80, $0x38;
	[tilespmem:$0x1C200] =	vst v63  }
0x16b: {  	s24 =	sshrl.u32 s24, $0x3  }
0x16c: {  	s24 =	sadd.s32 s2, s24  }
0x16d: {  	s25 =	simm.s32 $0x180;
	s24 =	sadd.s32 $0x2BC0, s24  }
0x16e: {  	s26 =	simm.s32 $0x10;
	s28 =	simm.s32 $0x380;
	s29 =	sadd.s32 $0x0, s24  }
.LBB2_40:
0x16f: {  	[tilespmem:s25], [sflag:$0x4] =	stream.linear.gather [hbm4b:s29+s3], $0x80, $0x38;
	[tilespmem:$0x1C200] =	vst v63  }
0x170: {  	s29 =	smov.u32 s26;
	s25 =	smov.u32 s28;
	p0 =	sne.s32 s26, $0x630  }
.Ltmp21:
0x171: {  	s26 =	sadd.s32 $0x10, s26;
	(pc) =	sbr.rel @p0 .LBB2_40-.Ltmp21, $2  }
0x172: {  	_ =	sdelay $0x2  }
0x173: {  	s28 =	sadd.s32 $0x200, s28;
	s29 =	sadd.s32 s29, s24  }
.Ltmp22:
0x174: {  	(pc) =	sbr.rel .LBB2_10-.Ltmp22, $3  }
0x175: {  	_ =	sdelay $0x1  }
0x176: {  	[tilespmem:s25], [sflag:$0x4] =	stream.linear.gather [hbm4b:s29+s3], $0x80, $0x38;
	[tilespmem:$0x1C200] =	vst v63  }
0x177: {  	s23 =	sadd.s32 $0x1, s23  }
.LBB2_43:
0x178: {  	_ =	sfence.sel $0x180000  }
0x179: {  	[bflag:$0x0] =	sbarrier.arrive $0xFFFF  }
0x17a: {  	p0 =	sne.s32 s1, $0x0;
	_ =	strace $0x90000047  }
0x17b: {  	s0 =	sadd.s32 @!p0 $0x100000, s0;
	[bflag:$0x2] =	sbarrier.arrive $0xFFFF  }
0x17c: {  	[sflag:s0] =	ssyncadd.tile.s32 @!p0 $0x1;
	_ =	shalt  }
.Lfunc_end2:
_tile_overlayer_lowered:
.L_overlay_start_2:
0x17d: {  	(tag) =	ssettag $0x2  }
0x17e: {  	s0 =	rddreg [dreg:$0x0];
	s2 =	stileid.u32  }
0x17f: {  	s1 =	rddreg [dreg:$0x1];
	p0 =	sne.s32 s2, $0x0  }
0x180: {  	s3 =	rddreg [dreg:$0x2];
	[bflag:$0x3] =	sbarrier.arrive $0xFFFF;
	s2 =	simm.s32 @!p0 $0x1C09  }
0x181: {  	[timem:s3], [sflag:s2] =	dma.local @!p0 [hbm:s0], s1  }
0x182: {  	s0 =	simm.s32 @!p0 $0x9  }
0x183: {  	_ =	swait.ge @!p0 [sflag:s0], s1  }
0x184: {  	s1 =	ssub.s32 @!p0 $0x0, s1;
	[sflag:s0] =	ssyncset.done @!p0 $0x0  }
0x185: {  	[sflag:s0] =	ssyncadd.s32 @!p0 s1  }
0x186: {  	[bflag:$0x3] =	sbarrier.arrive $0xFFFF  }
0x187: {  	_ =	shalt  }

// kernel: sparse-core-data-format-call.cloned.1.call-start
scs
called_computation_lowered:
.L_overlay_start_0:
0x0: {  	s2 =	sld [smem:$0x3FD9]  }
0x1: {  	s3 =	sld [smem:$0x3FFE];
	_ =	sdelay $0x1  }
0x2: {  	s1 =	srdreg.scid  }
0x3: {  	s0 =	sand.u32 $0x1, s1  }
0x4: {  	s18 =	sshll.u32 s0, $0xA;
	s2 =	sadd.s32 s3, s2  }
0x5: {  	s2 =	sadd.s32 s2, s18  }
0x6: {  	[smem:$0x3FC6] =	sst s2  }
0x7: {  	_ = 	snop  }
0x8: {  	s2 =	sld [smem:$0x3FD0];
	(tm) =	ssettm $0x1  }
0x9: {  	s19 =	sld [smem:$0x3FFB];
	_ =	sdelay $0x3  }
0xa: {  	_ =	strace s19  }
0xb: {  	s3 =	sld [smem:$0x3FFC];
	_ =	sdelay $0x3  }
0xc: {  	_ =	strace s3  }
0xd: {  	s3 =	sld [smem:$0x3FFD];
	_ =	sdelay $0x3  }
0xe: {  	_ =	strace s3  }
0xf: {  	_ =	strace $0x8FFFFFFF  }
0x10: {  	s20 =	sld [smem:$0x3FDB];
	_ =	sdelay $0x1  }
0x11: {  	s4 =	simm.s32 $_scs_section_size  }
0x12: {  	s5 =	simm.s32 $_size__tile_overlayer_lowered;
	s6 =	simm.s32 $_tile_overlayer_lowered  }
0x13: {  	s23 =	simm.s32 $0x1BFF;
	s22 =	sshll.u32 s6, $0x1;
	s3 =	sadd.s32 s4, s20  }
0x14: {  	s7 =	simm.s32 $0x0;
	s21 =	sshll.u32 s5, $0x1;
	s5 =	sadd.s32 s22, s3  }
0x15: {  	[timem:s7], [sflag:s23] =	dma.local [hbm:s5], s21  }
0x16: {  	_ =	swait.ge [sflag:s23], s21  }
0x17: {  	s4 =	ssub.s32 $0x0, s21;
	[sflag:s23] =	ssyncset.done $0x0  }
0x18: {  	[sflag:s23] =	ssyncadd.s32 s4;
	_ =	sdelay $0x1  }
0x19: {  	s24 =	simm.s32 $0x1B8B  }
0x1a: {  	_ =	swait.ge [sflag:s24], $0x1  }
0x1b: {  	[sflag:s24] =	ssyncset.done $0x0  }
0x1c: {  	s26 =	simm.s32 $0x1B8E;
	s25 =	sld [smem:$0x3FFE];
	[sflag:s24] =	ssyncadd.s32 $0xFFFFFFFF  }
0x1d: {  	s27 =	simm.s32 $execute0_lowered;
	[smem:$0x3FD2] =	sst s26  }
0x1e: {  	s5 =	sshll.u32 s27, $0x1;
	_ =	strace $0x80000049;
	[dreg:$0x1] =	wrdreg $0xFFFFFFFF  }
0x1f: {  	s28 =	simm.s32 $_size_execute0_lowered;
	s3 =	sadd.s32 s3, s5;
	[dreg:$0x0] =	wrdreg $0x0  }
0x20: {  	s5 =	sshll.u32 s28, $0x1;
	[dreg:$0x2] =	wrdreg s3  }
0x21: {  	[dreg:$0x3] =	wrdreg s5  }
0x22: {  	[dreg:$0x4] =	wrdreg $0xC0  }
0x23: {  	_ =	task [dreg:s7], $0x5FFFF  }
0x24: {  	[dreg:$0x1] =	wrdreg $0xFFFFFFFF  }
0x25: {  	[dreg:$0x0] =	wrdreg $0x60  }
0x26: {  	[dreg:$0x2] =	wrdreg s25  }
0x27: {  	[dreg:$0x3] =	wrdreg s2  }
0x28: {  	[dreg:$0x4] =	wrdreg $0x9  }
0x29: {  	_ =	task.clear_ibuf [dreg:s7], $0x5FFFF;
	_ =	strace $0x90000049  }
0x2a: {  	s29 =	simm.s32 $0x9;
	_ =	strace $0x8000004B  }
0x2b: {  	_ =	swait.ge [sflag:s29], $0x1  }
0x2c: {  	[sflag:s29] =	ssyncadd.s32 $0xFFFFFFFF  }
0x2d: {  	_ =	strace $0x9000004B  }
0x2e: {  	_ =	sfence  }
0x2f: {  	s30 =	sld [smem:$0x0];
	_ =	sdelay $0x2  }
0x30: {  	s31 =	sshll.u32 s1, $0xD;
	s1 =	sshrl.u32 s1, $0x2  }
0x31: {  	s3 =	sand.u32 $0x4000, s31;
	s1 =	sadd.s32 s1, s30  }
0x32: {  	s0 =	sor.u32 s3, s0;
	s1 =	sshll.u32 s1, $0x11  }
0x33: {  	s0 =	sor.u32 s1, s0  }
0x34: {  	s0 =	sadd.s32 $0x8F2B, s0  }
0x35: {  	[sflag:s0] =	ssyncadd.remote.s32 $0x1  }
0x36: {  	_ =	sfence.sel $0xFFFF  }
0x37: {  	[dreg:$0x0] =	wrdreg $0xFFFFFFFF;
	(pc) =	sbr.abs _section_cstart, $3  }
0x38: {  	[dreg:$0x1] =	wrdreg $0xFFFFFFFF  }
0x39: {  	_ =	task.clear_ibuf [dreg:s7], $0x2FFFF;
	_ =	strace $0x9FFFFFFF  }
0x3a: {  	(tm) =	ssettm $0x7FFFFFFF  }
0x3b: {  	_ =	shalt  }
tec
execute0_lowered:
.L_overlay_start_1:
0x0: {  	(tag) =	ssettag $0x1  }
0x1: {  	s0 =	srdreg.scid  }
0x2: {  	s1 =	sshll.u32 s0, $0x4  }
0x3: {  	s0 =	stileid.u32;
	s1 =	sand.u32 $0x10, s1  }
0x4: {  	s1 =	sor.u32 s0, s1  }
0x5: {  	s6 =	rddreg [dreg:$0x0];
	s4 =	simm.s32 $0x1;
	s2 =	sshll.u32 s1, $0x7  }
0x6: {  	s7 =	simm.s32 $0x2;
	s12 =	simm.s32 $0x0;
	s1 =	ssub.s32 $0x1000, s2  }
0x7: {  	s8 =	simm.s32 $0x8000;
	s13 =	simm.s32 $0x0;
	s3 =	sand.u32 $0xF80, s1  }
0x8: {  	s9 =	simm.s32 $0x0;
	s5 =	sshrl.u32 s1, $0xC;
	p0 =	sne.s32 s3, $0x0  }
.Ltmp0:
0x9: {  	s1 =	rddreg [dreg:$0x2];
	s4 =	simm.s32 @!p0 $0x0;
	(pc) =	sbr.rel .LBB1_1-.Ltmp0, $4  }
0xa: {  	s11 =	simm.s32 $0x0;
	s3 =	rddreg [dreg:$0x1];
	s5 =	sadd.s32 s4, s5  }
0xb: {  	_ =	strace $0x8000004A;
	s4 =	simm.s32 $0x1;
	s5 =	smul.u32 $0xC8, s5  }
0xc: {  	s6 =	sadd.s32 $0x641200, s6;
	s10 =	smov.u32 s2;
	[sflag:s4] =	ssyncpa.u1 $0x0  }
0xd: {  	p0 =	por $0x0, $0x0;
	[sflag:s7] =	ssyncpa.u1 $0x0;
	s7 =	sor.u32 $0x1, s5  }
.LBB1_4:
0xe: {  	s16 =	sshll.u32 s13, $0x3;
	s17 =	sand.u32 $0x78, s13  }
0xf: {  	s30 =	sand.u32 $0x7E00, s13;
	s12 =	sshll.u32 s12, $0xF;
	s16 =	sand.u32 $0xC00, s16  }
0x10: {  	[tilespmem:s15+$0x810 ss:$0x81] =	vst.msk $0xffff, v2;
	s31 =	sand.u32 $0x7, s13;
	s16 =	sor.u32 s17, s16;
	s17 =	sadd.s32 s3, s30  }
0x11: {  	[tilespmem:s15+$0x1020 ss:$0x81] =	vst.msk $0xffff, v0;
	s13 =	sshll.u32 s31, $0x12;
	s12 =	sadd.s32 s12, s17;
	s16 =	sshrl.u32 s16, $0x3  }
0x12: {  	[tilespmem:s15+$0x0 ss:$0x81] =	vst.msk $0xffff, v1;
	s13 =	sor.u32 $0x400, s13;
	s12 =	sadd.s32 s16, s12  }
0x13: {  	[hbm4b:s12+s13] =	stream.strided.scatter [tilespmem:s14], [sflag:$0x2], $0x2000, s8, s13, $0x20;
	[tilespmem:$0x8080] =	vst v63  }
.LBB1_5:
0x14: {  	s14 =	sadd.s32 $0x1, s9  }
0x15: {  	s12 =	sadd.s32 $0x1000, s10;
	s16 =	smov.u32 s10;
	p2 =	sgt.s32 s14, $0xC7  }
0x16: {  	s16 =	smov.u32 @p2 s12  }
0x17: {  	s14 =	simm.s32 @p2 $0x0;
	p2 =	sgt.s32 s16, $0xFFF  }
0x18: {  	s16 =	smov.u32 @p2 s2;
	p2 =	sne.s32 s11, s7  }
.Ltmp1:
0x19: {  	p1 =	slt.u32 s11, $0x2;
	(pc) =	sbr.rel @!p2 .LBB1_6-.Ltmp1, $4  }
0x1a: {  	s15 =	simm.s32 @!p1 $0x2  }
0x1b: {  	s13 =	smov.u32 s10;
	p0 =	por !p0, !p0;
	_ =	swait.ge @!p1 [sflag:s15], $0x2000  }
0x1c: {  	s12 =	smov.u32 s9;
	[sflag:s15] =	ssyncset.done @!p1 $0x0;
	s9 =	smov.u32 s14  }
0x1d: {  	s11 =	sadd.s32 $0x1, s11;
	[sflag:s15] =	ssyncadd.s32 @!p1 $0xFFFFE000;
	s10 =	smov.u32 s16  }
.LBB1_1:
0x1e: {  	p1 =	sge.u32 s11, s5  }
0x1f: {  	s14 =	sand.u32 @!p1 $0x1FFFFFF, s9  }
0x20: {  	s15 =	smulhi.u32 @!p1 $0x147AE15, s14;
	_ =	sdelay $0x1  }
0x21: {  	s15 =	smul.u32 @!p1 $0xC8, s15  }
0x22: {  	s16 =	sxor.u32 @!p1 $0xFFFFFFFF, s11;
	s17 =	smul.u32 @!p1 $0xC80, s10  }
0x23: {  	s31 =	sadd.s32 $0xFFFFFFFF, s11;
	s16 =	sshll.u32 @!p1 s16, $0xD;
	s14 =	ssub.s32 @!p1 s14, s15  }
0x24: {  	s15 =	sand.u32 @!p1 $0x2000, s16;
	s16 =	sadd.s32 @!p1 s6, s17;
	s14 =	sshll.u32 @!p1 s14, $0x4  }
0x25: {  	s17 =	simm.s32 @!p1 $0x6400;
	s14 =	sadd.s32 @!p1 s14, s16;
	s16 =	simm.s32 @!p1 $0x40  }
0x26: {  	[tilespmem:s15], [sflag:$0x1] =	stream.strided.gather @!p1 [hbm4b:s14+s16], $0x2000, s17, s16, $0x38;
	[tilespmem:$0x8080] =	vst v63  }
0x27: {  	p1 =	sge.u32 s31, s5  }
.Ltmp2:
0x28: {  	_ = 	snop;
	(pc) =	sbr.rel @p1 .LBB1_5-.Ltmp2, $1  }
0x29: {  	_ =	sdelay $0x3  }
0x2a: {  	s14 =	simm.s32 $0x1  }
0x2b: {  	_ =	swait.ge [sflag:s4], $0x2000;
	s14 =	simm.s32 @!p0 $0x0  }
0x2c: {  	[sflag:s4] =	ssyncset.done $0x0;
	s15 =	sshll.u32 s14, $0xD  }
0x2d: {  	[sflag:s4] =	ssyncadd.s32 $0xFFFFE000;
	s18 =	sor.u32 $0x20, s15  }
0x2e: {  	s14 =	smul.u32 $0x8100, s14;
	v3 =	vld [tilespmem:s18+$0x10]  }
0x2f: {  	s30 =	sand.u32 $0x1, s11;
	v2 =	vld [tilespmem:s18+$0xFFFFFFF0]  }
0x30: {  	s15 =	smul.u32 $0x8100, s30;
	s14 =	sshrl.u32 s14, $0x2;
	v0 =	vld [tilespmem:s18+$0x0]  }
0x31: {  	v1 =	vld [tilespmem:s18+$0xFFFFFFE0];
	s16 =	sor.u32 $0x4000, s14  }
0x32: {  	s31 =	sshrl.u32 s15, $0x2;
	s15 =	sadd.s32 $0x0, s16  }
0x33: {  	s17 =	simm.s32 $0x4;
	s18 =	sadd.s32 $0x40, s18;
	s14 =	sor.u32 $0x4000, s31;
	[tilespmem:s15+$0x1830 ss:$0x81] =	vst.msk $0xffff, v3  }
.LBB1_3:
0x34: {  	v3 =	vld [tilespmem:s18+$0x10];
	p1 =	sne.s32 s17, $0x1FC;
	[tilespmem:s15+$0x810 ss:$0x81] =	vst.msk $0xffff, v2;
	s19 =	smov.u32 s17;
	s17 =	sadd.s32 $0x4, s17  }
.Ltmp3:
0x35: {  	v2 =	vld [tilespmem:s18+$0xFFFFFFF0];
	[tilespmem:s15+$0x1020 ss:$0x81] =	vst.msk $0xffff, v0;
	(pc) =	sbr.rel @p1 .LBB1_3-.Ltmp3, $4  }
0x36: {  	v0 =	vld [tilespmem:s18+$0x0];
	[tilespmem:s15+$0x0 ss:$0x81] =	vst.msk $0xffff, v1  }
0x37: {  	s15 =	sshra.s32 s19, $0x2;
	v1 =	vld [tilespmem:s18+$0xFFFFFFE0]  }
0x38: {  	s15 =	sadd.s32 s15, s16  }
0x39: {  	s18 =	sadd.s32 $0x40, s18;
	[tilespmem:s15+$0x1830 ss:$0x81] =	vst.msk $0xffff, v3  }
.Ltmp4:
0x3a: {  	_ = 	snop;
	(pc) =	sbr.rel .LBB1_4-.Ltmp4, $1  }
0x3b: {  	_ =	sdelay $0x3  }
.LBB1_6:
0x3c: {  	_ =	sfence.sel $0x180000  }
0x3d: {  	s2 =	simm.s32 $0x1;
	[bflag:$0x0] =	sbarrier.arrive $0xFFFF  }
0x3e: {  	s31 =	simm.s32 $0x2;
	[sflag:s2] =	ssyncpa.u1 $0x1  }
0x3f: {  	[sflag:s31] =	ssyncpa.u1 $0x1  }
0x40: {  	p0 =	sne.s32 s0, $0x0;
	_ =	strace $0x9000004A  }
0x41: {  	s0 =	sadd.s32 @!p0 $0x100000, s1;
	[bflag:$0x2] =	sbarrier.arrive $0xFFFF  }
0x42: {  	[sflag:s0] =	ssyncadd.tile.s32 @!p0 $0x1;
	_ =	shalt  }
.Lfunc_end1:
_tile_overlayer_lowered:
.L_overlay_start_2:
0x43: {  	(tag) =	ssettag $0x2  }
0x44: {  	s0 =	rddreg [dreg:$0x0];
	s2 =	stileid.u32  }
0x45: {  	s1 =	rddreg [dreg:$0x1];
	p0 =	sne.s32 s2, $0x0  }
0x46: {  	s3 =	rddreg [dreg:$0x2];
	[bflag:$0x3] =	sbarrier.arrive $0xFFFF;
	s2 =	simm.s32 @!p0 $0x1C01  }
0x47: {  	[timem:s3], [sflag:s2] =	dma.local @!p0 [hbm:s0], s1  }
0x48: {  	s0 =	simm.s32 @!p0 $0x1  }
0x49: {  	_ =	swait.ge @!p0 [sflag:s0], s1  }
0x4a: {  	s1 =	ssub.s32 @!p0 $0x0, s1;
	[sflag:s0] =	ssyncset.done @!p0 $0x0  }
0x4b: {  	[sflag:s0] =	ssyncadd.s32 @!p0 s1  }
0x4c: {  	[bflag:$0x3] =	sbarrier.arrive $0xFFFF  }
0x4d: {  	_ =	shalt  }

</sc_bundles>
